<compile_context>
chip_gen: v7x
topology: tpu7x:2x2x1
jax: 0.10.2.dev20260603
libtpu: 0.0.44.dev20260713+nightly
codegen_flags: <defaults>
</compile_context>

<pallas_src>
from math import sqrt

import jax
import jax.numpy as jnp
from jax.experimental import pallas as pl

T = 2048
H = 16
D = 64
U = 40
QBLK = 256
NEG = -1e30
SCALE = 1.0 / sqrt(D)


def _phase_a(cnt_ref, q_ref, k_ref, m_ref):
    cnt = cnt_ref[...]
    mask = cnt > 0.0
    for h in range(H):
        qh = q_ref[h]
        kh = k_ref[h]
        s = jax.lax.dot_general(qh, kh, (((1,), (1,)), ((), ())),
                                preferred_element_type=jnp.float32)
        smax = jnp.max(jnp.where(mask, s, NEG), axis=1)
        ksum = jax.lax.dot_general(cnt, kh, (((1,), (0,)), ((), ())),
                                   preferred_element_type=jnp.float32)
        ssum = jnp.sum(qh * ksum, axis=1)
        m_ref[h] = smax - ssum * (1.0 / T)


def _phase_b(m_ref, q_ref, k_ref, v_ref, o_ref):
    m = m_ref[0]
    q = q_ref[0]
    k = k_ref[0]
    v = v_ref[0]

    iota_t = jax.lax.broadcasted_iota(jnp.int32, (1, T), 1)
    iota_u = jax.lax.broadcasted_iota(jnp.int32, (U, 1), 0)

    def pick(j, carry):
        mcur, idxcol = carry
        vmax = jnp.max(mcur, axis=1, keepdims=True)
        cand = jnp.where(mcur == vmax, iota_t, T)
        idx = jnp.min(cand, axis=1, keepdims=True)
        idxcol = jnp.where(iota_u == j, idx, idxcol)
        mcur = jnp.where(iota_t == idx, NEG, mcur)
        return mcur, idxcol

    _, idxcol = jax.lax.fori_loop(
        0, U, pick, (m, jnp.zeros((U, 1), jnp.int32)))

    iota_ut = jax.lax.broadcasted_iota(jnp.int32, (U, T), 1)
    onehot = (idxcol == iota_ut).astype(jnp.float32)

    qr = jax.lax.dot_general(onehot, q, (((1,), (0,)), ((), ())),
                             preferred_element_type=jnp.float32)
    scores = jax.lax.dot_general(qr, k, (((1,), (1,)), ((), ())),
                                 preferred_element_type=jnp.float32) * SCALE
    smax = jnp.max(scores, axis=1, keepdims=True)
    e = jnp.exp(scores - smax)
    attn = e / jnp.sum(e, axis=1, keepdims=True)
    upd = jax.lax.dot_general(attn, v, (((1,), (0,)), ((), ())),
                              preferred_element_type=jnp.float32)

    vmean = jnp.sum(v, axis=0, keepdims=True) * (1.0 / T)
    scattered = jax.lax.dot_general(onehot, upd, (((0,), (0,)), ((), ())),
                                    preferred_element_type=jnp.float32)
    selc = jax.lax.dot_general(onehot, jnp.ones((U, 1), jnp.float32),
                               (((0,), (0,)), ((), ())),
                               preferred_element_type=jnp.float32)
    o_ref[0] = jnp.where(selc > 0.5, scattered, vmean)


def kernel(queries, keys, values):
    q = jnp.transpose(queries[0, :, 0], (1, 0, 2))
    k = jnp.transpose(keys[0, :, 0], (1, 0, 2))
    v = jnp.transpose(values[0, :, 0], (1, 0, 2))

    idxs = jax.random.randint(jax.random.key(1234), (T, U), 0, T)
    cnt = jnp.zeros((T, T), jnp.float32).at[
        jnp.arange(T)[:, None], idxs].add(1.0)

    m = pl.pallas_call(
        _phase_a,
        grid=(T // QBLK,),
        in_specs=[
            pl.BlockSpec((QBLK, T), lambda i: (i, 0)),
            pl.BlockSpec((H, QBLK, D), lambda i: (0, i, 0)),
            pl.BlockSpec((H, T, D), lambda i: (0, 0, 0)),
        ],
        out_specs=pl.BlockSpec((H, QBLK), lambda i: (0, i)),
        out_shape=jax.ShapeDtypeStruct((H, T), jnp.float32),
    )(cnt, q, k)

    ctx = pl.pallas_call(
        _phase_b,
        grid=(H,),
        in_specs=[
            pl.BlockSpec((1, 1, T), lambda h: (h, 0, 0)),
            pl.BlockSpec((1, T, D), lambda h: (h, 0, 0)),
            pl.BlockSpec((1, T, D), lambda h: (h, 0, 0)),
            pl.BlockSpec((1, T, D), lambda h: (h, 0, 0)),
        ],
        out_specs=pl.BlockSpec((1, T, D), lambda h: (h, 0, 0)),
        out_shape=jax.ShapeDtypeStruct((H, T, D), jnp.float32),
    )(m.reshape(H, 1, T), q, k, v)

    return jnp.transpose(ctx, (1, 0, 2)).reshape(1, T, 1, H, D)

# --- scband reference (transcript-rebuilt; emitter-appended) ---
"""Pipeline reference for scband-prob-attention-44315472560730 (READ-ONLY COPY).

The authoritative reference and input builder live on the scoring server;
editing this copy changes nothing except your own understanding.
"""

import jax, jax.numpy as jnp
import numpy as np
from math import sqrt


def setup_inputs(seed: int = 0) -> dict:
    key = jax.random.key(seed)
    kq, kk, kv = jax.random.split(key, 3)
    shape = (1, 2048, 1, 16, 64)
    return {
        "queries": jax.random.normal(kq, shape, dtype=jnp.float32),
        "keys": jax.random.normal(kk, shape, dtype=jnp.float32),
        "values": jax.random.normal(kv, shape, dtype=jnp.float32),
    }


def _forward(queries, keys, values, factor=5):
    # queries/keys/values: [B, T, N, H, D]
    B, T, N, H, D = queries.shape
    d = N * D
    # transpose(3,2) -> B,T,H,N,D ; reshape -> B,T,H,N*D ; transpose(2,1) -> B,H,T,d
    q = jnp.swapaxes(queries, 2, 3).reshape(B, T, H, d)
    q = jnp.swapaxes(q, 1, 2)
    k = jnp.swapaxes(keys, 2, 3).reshape(B, T, H, d)
    k = jnp.swapaxes(k, 1, 2)
    v = jnp.swapaxes(values, 2, 3).reshape(B, T, H, d)
    v = jnp.swapaxes(v, 1, 2)

    U_part = factor * int(np.ceil(np.log(T)))
    u = factor * int(np.ceil(np.log(T)))
    U_part = min(U_part, T)
    u = min(u, T)

    # _prob_QK: sample U_part keys per query position
    idx_key = jax.random.key(1234)
    index_sample = jax.random.randint(idx_key, (T, U_part), 0, T)  # [T, U_part]
    K_sample = k[:, :, index_sample, :]  # [B, H, T, U_part, d]
    Q_K_sample = jnp.einsum('bhtd,bhtsd->bhts', q, K_sample)  # [B, H, T, U_part]
    M = Q_K_sample.max(axis=-1) - Q_K_sample.sum(axis=-1) / T  # [B, H, T]
    M_top = jax.lax.top_k(M, u)[1]  # [B, H, u] indices
    Q_reduce = jnp.take_along_axis(q, M_top[..., None], axis=2)  # [B, H, u, d]
    Q_K = jnp.einsum('bhud,bhtd->bhut', Q_reduce, k)  # [B, H, u, T]

    scale = 1.0 / sqrt(D)
    scores = Q_K * scale

    # _get_initial_context with mask_flag=False: mean of V broadcast over T
    V_sum = jnp.mean(v, axis=2)  # [B, H, d]
    context = jnp.broadcast_to(V_sum[:, :, None, :], (B, H, T, d))

    # _update_context: softmax over keys, scatter-overwrite top-u query rows
    attn = jax.nn.softmax(scores, axis=-1)  # [B, H, u, T]
    update = jnp.einsum('bhut,bhtd->bhud', attn, v)  # [B, H, u, d]
    ctx = context.reshape(B * H, T, d)
    idx = M_top.reshape(B * H, u)
    upd = update.reshape(B * H, u, d)
    ctx = jax.vmap(lambda c, i, uu: c.at[i].set(uu))(ctx, idx, upd)
    context = ctx.reshape(B, H, T, d)

    # context.transpose(2,1) -> B,T,H,d ; reshape -> B,T,H,N,D ; transpose(3,2) -> B,T,N,H,D
    out = jnp.swapaxes(context, 1, 2).reshape(B, T, H, N, D)
    out = jnp.swapaxes(out, 2, 3)
    return out


def reference(queries, keys, values):
    return _forward(queries, keys, values)

if __name__ == "__main__":
    import jax
    _d = setup_inputs()
    print(jax.jit(kernel)(*tuple(_d.values())))

</pallas_src>

<mosaic_0001>
module attributes {stable_mosaic.version = 14 : i64} {
  func.func @_phase_a(%arg0: i32, %arg1: memref<256x2048xf32, #tpu.memory_space<vmem>>, %arg2: memref<16x256x64xf32, #tpu.memory_space<vmem>>, %arg3: memref<16x2048x64xf32, #tpu.memory_space<vmem>>, %arg4: memref<16x256xf32, #tpu.memory_space<vmem>>) attributes {dimension_semantics = [#tpu.dimension_semantics<arbitrary>], iteration_bounds = array<i64: 8>, scalar_prefetch = 0 : i64, scratch_operands = 0 : i64, tpu.core_type = #tpu.core_type<tc>, window_params = [{transform_indices = @transform_0, window_bounds = array<i64: 256, 2048>}, {transform_indices = @transform_1, window_bounds = array<i64: 16, 256, 64>}, {pipeline_mode = #tpu.pipeline_mode<synchronous>, transform_indices = @transform_2, window_bounds = array<i64: 16, 2048, 64>}, {transform_indices = @transform_3, window_bounds = array<i64: 16, 256>}]} {
    %get3A = arith.constant 0 : index
    %get3A_0 = arith.constant 0 : index
    %get3A_1 = vector.load %arg1[%get3A, %get3A_0] : memref<256x2048xf32, #tpu.memory_space<vmem>>, vector<256x2048xf32>
    %gt3A = arith.constant 0.000000e+00 : f32
    %gt3A_2 = vector.broadcast %gt3A : f32 to vector<256x2048xf32>
    %gt3A_3 = arith.cmpf ogt, %get3A_1, %gt3A_2 : vector<256x2048xf32>
    %get3A_4 = arith.constant 0 : index
    %get3A_5 = arith.constant 0 : index
    %get3A_6 = arith.constant 0 : index
    %get3A_7 = vector.load %arg2[%get3A_4, %get3A_5, %get3A_6] : memref<16x256x64xf32, #tpu.memory_space<vmem>>, vector<1x256x64xf32>
    %get3A_8 = vector.shape_cast %get3A_7 : vector<1x256x64xf32> to vector<256x64xf32>
    %get3A_9 = arith.constant 0 : index
    %get3A_10 = arith.constant 0 : index
    %get3A_11 = arith.constant 0 : index
    %get3A_12 = vector.load %arg3[%get3A_9, %get3A_10, %get3A_11] : memref<16x2048x64xf32, #tpu.memory_space<vmem>>, vector<1x2048x64xf32>
    %get3A_13 = vector.shape_cast %get3A_12 : vector<1x2048x64xf32> to vector<2048x64xf32>
    %dot_general3A = arith.constant dense<0.000000e+00> : vector<256x2048xf32>
    %dot_general3A_14 = tpu.matmul %get3A_8, %get3A_13, %dot_general3A {dimension_numbers = #tpu.dot_dimension_numbers<[1], [1], [0], [0], [0, 0, 1, 0], [], []>, transpose_lhs_hint = false} : vector<256x64xf32>, vector<2048x64xf32>, vector<256x2048xf32> -> vector<256x2048xf32>
    %jit3A = arith.constant -1.000000e+30 : f32
    %broadcast_in_dim3A = vector.broadcast %jit3A : f32 to vector<256x2048xf32>
    %select_n3A = arith.select %gt3A_3, %dot_general3A_14, %broadcast_in_dim3A : vector<256x2048xi1>, vector<256x2048xf32>
    %reduce_max3A = arith.constant dense<0xFF800000> : vector<256xf32>
    %reduce_max3A_15 = vector.multi_reduction <maximumf>, %select_n3A, %reduce_max3A [1] : vector<256x2048xf32> to vector<256xf32>
    %dot_general3A_16 = arith.constant dense<0.000000e+00> : vector<256x64xf32>
    %dot_general3A_17 = tpu.matmul %get3A_1, %get3A_13, %dot_general3A_16 {dimension_numbers = #tpu.dot_dimension_numbers<[1], [0], [0], [1], [0, 0, 1, 1], [], []>, transpose_lhs_hint = false} : vector<256x2048xf32>, vector<2048x64xf32>, vector<256x64xf32> -> vector<256x64xf32>
    %mul3A = arith.mulf %get3A_8, %dot_general3A_17 : vector<256x64xf32>
    %reduce_sum3A = arith.constant dense<0.000000e+00> : vector<256xf32>
    %reduce_sum3A_18 = vector.multi_reduction <add>, %mul3A, %reduce_sum3A [1] : vector<256x64xf32> to vector<256xf32>
    %mul3A_19 = arith.constant 4.8828125E-4 : f32
    %mul3A_20 = vector.broadcast %mul3A_19 : f32 to vector<256xf32>
    %mul3A_21 = arith.mulf %reduce_sum3A_18, %mul3A_20 : vector<256xf32>
    %sub3A = arith.subf %reduce_max3A_15, %mul3A_21 : vector<256xf32>
    %swap3A = arith.constant 0 : index
    %swap3A_22 = arith.constant 0 : index
    %swap3A_23 = vector.load %arg4[%swap3A, %swap3A_22] : memref<16x256xf32, #tpu.memory_space<vmem>>, vector<1x256xf32>
    %swap3A_24 = vector.shape_cast %swap3A_23 : vector<1x256xf32> to vector<256xf32>
    %swap3A_25 = vector.shape_cast %sub3A : vector<256xf32> to vector<1x256xf32>
    tpu.vector_store %arg4[%swap3A, %swap3A_22], %swap3A_25 {strides = array<i32>} : memref<16x256xf32, #tpu.memory_space<vmem>>, vector<1x256xf32>,
    %get3A_26 = arith.constant 1 : index
    %get3A_27 = arith.constant 0 : index
    %get3A_28 = arith.constant 0 : index
    %get3A_29 = vector.load %arg2[%get3A_26, %get3A_27, %get3A_28] : memref<16x256x64xf32, #tpu.memory_space<vmem>>, vector<1x256x64xf32>
    %get3A_30 = vector.shape_cast %get3A_29 : vector<1x256x64xf32> to vector<256x64xf32>
    %get3A_31 = arith.constant 1 : index
    %get3A_32 = arith.constant 0 : index
    %get3A_33 = arith.constant 0 : index
    %get3A_34 = vector.load %arg3[%get3A_31, %get3A_32, %get3A_33] : memref<16x2048x64xf32, #tpu.memory_space<vmem>>, vector<1x2048x64xf32>
    %get3A_35 = vector.shape_cast %get3A_34 : vector<1x2048x64xf32> to vector<2048x64xf32>
    %dot_general3A_36 = arith.constant dense<0.000000e+00> : vector<256x2048xf32>
    %dot_general3A_37 = tpu.matmul %get3A_30, %get3A_35, %dot_general3A_36 {dimension_numbers = #tpu.dot_dimension_numbers<[1], [1], [0], [0], [0, 0, 1, 0], [], []>, transpose_lhs_hint = false} : vector<256x64xf32>, vector<2048x64xf32>, vector<256x2048xf32> -> vector<256x2048xf32>
    %jit3A_38 = arith.constant -1.000000e+30 : f32
    %broadcast_in_dim3A_39 = vector.broadcast %jit3A_38 : f32 to vector<256x2048xf32>
    %select_n3A_40 = arith.select %gt3A_3, %dot_general3A_37, %broadcast_in_dim3A_39 : vector<256x2048xi1>, vector<256x2048xf32>
    %reduce_max3A_41 = arith.constant dense<0xFF800000> : vector<256xf32>
    %reduce_max3A_42 = vector.multi_reduction <maximumf>, %select_n3A_40, %reduce_max3A_41 [1] : vector<256x2048xf32> to vector<256xf32>
    %dot_general3A_43 = arith.constant dense<0.000000e+00> : vector<256x64xf32>
    %dot_general3A_44 = tpu.matmul %get3A_1, %get3A_35, %dot_general3A_43 {dimension_numbers = #tpu.dot_dimension_numbers<[1], [0], [0], [1], [0, 0, 1, 1], [], []>, transpose_lhs_hint = false} : vector<256x2048xf32>, vector<2048x64xf32>, vector<256x64xf32> -> vector<256x64xf32>
    %mul3A_45 = arith.mulf %get3A_30, %dot_general3A_44 : vector<256x64xf32>
    %reduce_sum3A_46 = arith.constant dense<0.000000e+00> : vector<256xf32>
    %reduce_sum3A_47 = vector.multi_reduction <add>, %mul3A_45, %reduce_sum3A_46 [1] : vector<256x64xf32> to vector<256xf32>
    %mul3A_48 = arith.constant 4.8828125E-4 : f32
    %mul3A_49 = vector.broadcast %mul3A_48 : f32 to vector<256xf32>
    %mul3A_50 = arith.mulf %reduce_sum3A_47, %mul3A_49 : vector<256xf32>
    %sub3A_51 = arith.subf %reduce_max3A_42, %mul3A_50 : vector<256xf32>
    %swap3A_52 = arith.constant 1 : index
    %swap3A_53 = arith.constant 0 : index
    %swap3A_54 = vector.load %arg4[%swap3A_52, %swap3A_53] : memref<16x256xf32, #tpu.memory_space<vmem>>, vector<1x256xf32>
    %swap3A_55 = vector.shape_cast %swap3A_54 : vector<1x256xf32> to vector<256xf32>
    %swap3A_56 = vector.shape_cast %sub3A_51 : vector<256xf32> to vector<1x256xf32>
    tpu.vector_store %arg4[%swap3A_52, %swap3A_53], %swap3A_56 {strides = array<i32>} : memref<16x256xf32, #tpu.memory_space<vmem>>, vector<1x256xf32>,
    %get3A_57 = arith.constant 2 : index
    %get3A_58 = arith.constant 0 : index
    %get3A_59 = arith.constant 0 : index
    %get3A_60 = vector.load %arg2[%get3A_57, %get3A_58, %get3A_59] : memref<16x256x64xf32, #tpu.memory_space<vmem>>, vector<1x256x64xf32>
    %get3A_61 = vector.shape_cast %get3A_60 : vector<1x256x64xf32> to vector<256x64xf32>
    %get3A_62 = arith.constant 2 : index
    %get3A_63 = arith.constant 0 : index
    %get3A_64 = arith.constant 0 : index
    %get3A_65 = vector.load %arg3[%get3A_62, %get3A_63, %get3A_64] : memref<16x2048x64xf32, #tpu.memory_space<vmem>>, vector<1x2048x64xf32>
    %get3A_66 = vector.shape_cast %get3A_65 : vector<1x2048x64xf32> to vector<2048x64xf32>
    %dot_general3A_67 = arith.constant dense<0.000000e+00> : vector<256x2048xf32>
    %dot_general3A_68 = tpu.matmul %get3A_61, %get3A_66, %dot_general3A_67 {dimension_numbers = #tpu.dot_dimension_numbers<[1], [1], [0], [0], [0, 0, 1, 0], [], []>, transpose_lhs_hint = false} : vector<256x64xf32>, vector<2048x64xf32>, vector<256x2048xf32> -> vector<256x2048xf32>
    %jit3A_69 = arith.constant -1.000000e+30 : f32
    %broadcast_in_dim3A_70 = vector.broadcast %jit3A_69 : f32 to vector<256x2048xf32>
    %select_n3A_71 = arith.select %gt3A_3, %dot_general3A_68, %broadcast_in_dim3A_70 : vector<256x2048xi1>, vector<256x2048xf32>
    %reduce_max3A_72 = arith.constant dense<0xFF800000> : vector<256xf32>
    %reduce_max3A_73 = vector.multi_reduction <maximumf>, %select_n3A_71, %reduce_max3A_72 [1] : vector<256x2048xf32> to vector<256xf32>
    %dot_general3A_74 = arith.constant dense<0.000000e+00> : vector<256x64xf32>
    %dot_general3A_75 = tpu.matmul %get3A_1, %get3A_66, %dot_general3A_74 {dimension_numbers = #tpu.dot_dimension_numbers<[1], [0], [0], [1], [0, 0, 1, 1], [], []>, transpose_lhs_hint = false} : vector<256x2048xf32>, vector<2048x64xf32>, vector<256x64xf32> -> vector<256x64xf32>
    %mul3A_76 = arith.mulf %get3A_61, %dot_general3A_75 : vector<256x64xf32>
    %reduce_sum3A_77 = arith.constant dense<0.000000e+00> : vector<256xf32>
    %reduce_sum3A_78 = vector.multi_reduction <add>, %mul3A_76, %reduce_sum3A_77 [1] : vector<256x64xf32> to vector<256xf32>
    %mul3A_79 = arith.constant 4.8828125E-4 : f32
    %mul3A_80 = vector.broadcast %mul3A_79 : f32 to vector<256xf32>
    %mul3A_81 = arith.mulf %reduce_sum3A_78, %mul3A_80 : vector<256xf32>
    %sub3A_82 = arith.subf %reduce_max3A_73, %mul3A_81 : vector<256xf32>
    %swap3A_83 = arith.constant 2 : index
    %swap3A_84 = arith.constant 0 : index
    %swap3A_85 = vector.load %arg4[%swap3A_83, %swap3A_84] : memref<16x256xf32, #tpu.memory_space<vmem>>, vector<1x256xf32>
    %swap3A_86 = vector.shape_cast %swap3A_85 : vector<1x256xf32> to vector<256xf32>
    %swap3A_87 = vector.shape_cast %sub3A_82 : vector<256xf32> to vector<1x256xf32>
    tpu.vector_store %arg4[%swap3A_83, %swap3A_84], %swap3A_87 {strides = array<i32>} : memref<16x256xf32, #tpu.memory_space<vmem>>, vector<1x256xf32>,
    %get3A_88 = arith.constant 3 : index
    %get3A_89 = arith.constant 0 : index
    %get3A_90 = arith.constant 0 : index
    %get3A_91 = vector.load %arg2[%get3A_88, %get3A_89, %get3A_90] : memref<16x256x64xf32, #tpu.memory_space<vmem>>, vector<1x256x64xf32>
    %get3A_92 = vector.shape_cast %get3A_91 : vector<1x256x64xf32> to vector<256x64xf32>
    %get3A_93 = arith.constant 3 : index
    %get3A_94 = arith.constant 0 : index
    %get3A_95 = arith.constant 0 : index
    %get3A_96 = vector.load %arg3[%get3A_93, %get3A_94, %get3A_95] : memref<16x2048x64xf32, #tpu.memory_space<vmem>>, vector<1x2048x64xf32>
    %get3A_97 = vector.shape_cast %get3A_96 : vector<1x2048x64xf32> to vector<2048x64xf32>
    %dot_general3A_98 = arith.constant dense<0.000000e+00> : vector<256x2048xf32>
    %dot_general3A_99 = tpu.matmul %get3A_92, %get3A_97, %dot_general3A_98 {dimension_numbers = #tpu.dot_dimension_numbers<[1], [1], [0], [0], [0, 0, 1, 0], [], []>, transpose_lhs_hint = false} : vector<256x64xf32>, vector<2048x64xf32>, vector<256x2048xf32> -> vector<256x2048xf32>
    %jit3A_100 = arith.constant -1.000000e+30 : f32
    %broadcast_in_dim3A_101 = vector.broadcast %jit3A_100 : f32 to vector<256x2048xf32>
    %select_n3A_102 = arith.select %gt3A_3, %dot_general3A_99, %broadcast_in_dim3A_101 : vector<256x2048xi1>, vector<256x2048xf32>
    %reduce_max3A_103 = arith.constant dense<0xFF800000> : vector<256xf32>
    %reduce_max3A_104 = vector.multi_reduction <maximumf>, %select_n3A_102, %reduce_max3A_103 [1] : vector<256x2048xf32> to vector<256xf32>
    %dot_general3A_105 = arith.constant dense<0.000000e+00> : vector<256x64xf32>
    %dot_general3A_106 = tpu.matmul %get3A_1, %get3A_97, %dot_general3A_105 {dimension_numbers = #tpu.dot_dimension_numbers<[1], [0], [0], [1], [0, 0, 1, 1], [], []>, transpose_lhs_hint = false} : vector<256x2048xf32>, vector<2048x64xf32>, vector<256x64xf32> -> vector<256x64xf32>
    %mul3A_107 = arith.mulf %get3A_92, %dot_general3A_106 : vector<256x64xf32>
    %reduce_sum3A_108 = arith.constant dense<0.000000e+00> : vector<256xf32>
    %reduce_sum3A_109 = vector.multi_reduction <add>, %mul3A_107, %reduce_sum3A_108 [1] : vector<256x64xf32> to vector<256xf32>
    %mul3A_110 = arith.constant 4.8828125E-4 : f32
    %mul3A_111 = vector.broadcast %mul3A_110 : f32 to vector<256xf32>
    %mul3A_112 = arith.mulf %reduce_sum3A_109, %mul3A_111 : vector<256xf32>
    %sub3A_113 = arith.subf %reduce_max3A_104, %mul3A_112 : vector<256xf32>
    %swap3A_114 = arith.constant 3 : index
    %swap3A_115 = arith.constant 0 : index
    %swap3A_116 = vector.load %arg4[%swap3A_114, %swap3A_115] : memref<16x256xf32, #tpu.memory_space<vmem>>, vector<1x256xf32>
    %swap3A_117 = vector.shape_cast %swap3A_116 : vector<1x256xf32> to vector<256xf32>
    %swap3A_118 = vector.shape_cast %sub3A_113 : vector<256xf32> to vector<1x256xf32>
    tpu.vector_store %arg4[%swap3A_114, %swap3A_115], %swap3A_118 {strides = array<i32>} : memref<16x256xf32, #tpu.memory_space<vmem>>, vector<1x256xf32>,
    %get3A_119 = arith.constant 4 : index
    %get3A_120 = arith.constant 0 : index
    %get3A_121 = arith.constant 0 : index
    %get3A_122 = vector.load %arg2[%get3A_119, %get3A_120, %get3A_121] : memref<16x256x64xf32, #tpu.memory_space<vmem>>, vector<1x256x64xf32>
    %get3A_123 = vector.shape_cast %get3A_122 : vector<1x256x64xf32> to vector<256x64xf32>
    %get3A_124 = arith.constant 4 : index
    %get3A_125 = arith.constant 0 : index
    %get3A_126 = arith.constant 0 : index
    %get3A_127 = vector.load %arg3[%get3A_124, %get3A_125, %get3A_126] : memref<16x2048x64xf32, #tpu.memory_space<vmem>>, vector<1x2048x64xf32>
    %get3A_128 = vector.shape_cast %get3A_127 : vector<1x2048x64xf32> to vector<2048x64xf32>
    %dot_general3A_129 = arith.constant dense<0.000000e+00> : vector<256x2048xf32>
    %dot_general3A_130 = tpu.matmul %get3A_123, %get3A_128, %dot_general3A_129 {dimension_numbers = #tpu.dot_dimension_numbers<[1], [1], [0], [0], [0, 0, 1, 0], [], []>, transpose_lhs_hint = false} : vector<256x64xf32>, vector<2048x64xf32>, vector<256x2048xf32> -> vector<256x2048xf32>
    %jit3A_131 = arith.constant -1.000000e+30 : f32
    %broadcast_in_dim3A_132 = vector.broadcast %jit3A_131 : f32 to vector<256x2048xf32>
    %select_n3A_133 = arith.select %gt3A_3, %dot_general3A_130, %broadcast_in_dim3A_132 : vector<256x2048xi1>, vector<256x2048xf32>
    %reduce_max3A_134 = arith.constant dense<0xFF800000> : vector<256xf32>
    %reduce_max3A_135 = vector.multi_reduction <maximumf>, %select_n3A_133, %reduce_max3A_134 [1] : vector<256x2048xf32> to vector<256xf32>
    %dot_general3A_136 = arith.constant dense<0.000000e+00> : vector<256x64xf32>
    %dot_general3A_137 = tpu.matmul %get3A_1, %get3A_128, %dot_general3A_136 {dimension_numbers = #tpu.dot_dimension_numbers<[1], [0], [0], [1], [0, 0, 1, 1], [], []>, transpose_lhs_hint = false} : vector<256x2048xf32>, vector<2048x64xf32>, vector<256x64xf32> -> vector<256x64xf32>
    %mul3A_138 = arith.mulf %get3A_123, %dot_general3A_137 : vector<256x64xf32>
    %reduce_sum3A_139 = arith.constant dense<0.000000e+00> : vector<256xf32>
    %reduce_sum3A_140 = vector.multi_reduction <add>, %mul3A_138, %reduce_sum3A_139 [1] : vector<256x64xf32> to vector<256xf32>
    %mul3A_141 = arith.constant 4.8828125E-4 : f32
    %mul3A_142 = vector.broadcast %mul3A_141 : f32 to vector<256xf32>
    %mul3A_143 = arith.mulf %reduce_sum3A_140, %mul3A_142 : vector<256xf32>
    %sub3A_144 = arith.subf %reduce_max3A_135, %mul3A_143 : vector<256xf32>
    %swap3A_145 = arith.constant 4 : index
    %swap3A_146 = arith.constant 0 : index
    %swap3A_147 = vector.load %arg4[%swap3A_145, %swap3A_146] : memref<16x256xf32, #tpu.memory_space<vmem>>, vector<1x256xf32>
    %swap3A_148 = vector.shape_cast %swap3A_147 : vector<1x256xf32> to vector<256xf32>
    %swap3A_149 = vector.shape_cast %sub3A_144 : vector<256xf32> to vector<1x256xf32>
    tpu.vector_store %arg4[%swap3A_145, %swap3A_146], %swap3A_149 {strides = array<i32>} : memref<16x256xf32, #tpu.memory_space<vmem>>, vector<1x256xf32>,
    %get3A_150 = arith.constant 5 : index
    %get3A_151 = arith.constant 0 : index
    %get3A_152 = arith.constant 0 : index
    %get3A_153 = vector.load %arg2[%get3A_150, %get3A_151, %get3A_152] : memref<16x256x64xf32, #tpu.memory_space<vmem>>, vector<1x256x64xf32>
    %get3A_154 = vector.shape_cast %get3A_153 : vector<1x256x64xf32> to vector<256x64xf32>
    %get3A_155 = arith.constant 5 : index
    %get3A_156 = arith.constant 0 : index
    %get3A_157 = arith.constant 0 : index
    %get3A_158 = vector.load %arg3[%get3A_155, %get3A_156, %get3A_157] : memref<16x2048x64xf32, #tpu.memory_space<vmem>>, vector<1x2048x64xf32>
    %get3A_159 = vector.shape_cast %get3A_158 : vector<1x2048x64xf32> to vector<2048x64xf32>
    %dot_general3A_160 = arith.constant dense<0.000000e+00> : vector<256x2048xf32>
    %dot_general3A_161 = tpu.matmul %get3A_154, %get3A_159, %dot_general3A_160 {dimension_numbers = #tpu.dot_dimension_numbers<[1], [1], [0], [0], [0, 0, 1, 0], [], []>, transpose_lhs_hint = false} : vector<256x64xf32>, vector<2048x64xf32>, vector<256x2048xf32> -> vector<256x2048xf32>
    %jit3A_162 = arith.constant -1.000000e+30 : f32
    %broadcast_in_dim3A_163 = vector.broadcast %jit3A_162 : f32 to vector<256x2048xf32>
    %select_n3A_164 = arith.select %gt3A_3, %dot_general3A_161, %broadcast_in_dim3A_163 : vector<256x2048xi1>, vector<256x2048xf32>
    %reduce_max3A_165 = arith.constant dense<0xFF800000> : vector<256xf32>
    %reduce_max3A_166 = vector.multi_reduction <maximumf>, %select_n3A_164, %reduce_max3A_165 [1] : vector<256x2048xf32> to vector<256xf32>
    %dot_general3A_167 = arith.constant dense<0.000000e+00> : vector<256x64xf32>
    %dot_general3A_168 = tpu.matmul %get3A_1, %get3A_159, %dot_general3A_167 {dimension_numbers = #tpu.dot_dimension_numbers<[1], [0], [0], [1], [0, 0, 1, 1], [], []>, transpose_lhs_hint = false} : vector<256x2048xf32>, vector<2048x64xf32>, vector<256x64xf32> -> vector<256x64xf32>
    %mul3A_169 = arith.mulf %get3A_154, %dot_general3A_168 : vector<256x64xf32>
    %reduce_sum3A_170 = arith.constant dense<0.000000e+00> : vector<256xf32>
    %reduce_sum3A_171 = vector.multi_reduction <add>, %mul3A_169, %reduce_sum3A_170 [1] : vector<256x64xf32> to vector<256xf32>
    %mul3A_172 = arith.constant 4.8828125E-4 : f32
    %mul3A_173 = vector.broadcast %mul3A_172 : f32 to vector<256xf32>
    %mul3A_174 = arith.mulf %reduce_sum3A_171, %mul3A_173 : vector<256xf32>
    %sub3A_175 = arith.subf %reduce_max3A_166, %mul3A_174 : vector<256xf32>
    %swap3A_176 = arith.constant 5 : index
    %swap3A_177 = arith.constant 0 : index
    %swap3A_178 = vector.load %arg4[%swap3A_176, %swap3A_177] : memref<16x256xf32, #tpu.memory_space<vmem>>, vector<1x256xf32>
    %swap3A_179 = vector.shape_cast %swap3A_178 : vector<1x256xf32> to vector<256xf32>
    %swap3A_180 = vector.shape_cast %sub3A_175 : vector<256xf32> to vector<1x256xf32>
    tpu.vector_store %arg4[%swap3A_176, %swap3A_177], %swap3A_180 {strides = array<i32>} : memref<16x256xf32, #tpu.memory_space<vmem>>, vector<1x256xf32>,
    %get3A_181 = arith.constant 6 : index
    %get3A_182 = arith.constant 0 : index
    %get3A_183 = arith.constant 0 : index
    %get3A_184 = vector.load %arg2[%get3A_181, %get3A_182, %get3A_183] : memref<16x256x64xf32, #tpu.memory_space<vmem>>, vector<1x256x64xf32>
    %get3A_185 = vector.shape_cast %get3A_184 : vector<1x256x64xf32> to vector<256x64xf32>
    %get3A_186 = arith.constant 6 : index
    %get3A_187 = arith.constant 0 : index
    %get3A_188 = arith.constant 0 : index
    %get3A_189 = vector.load %arg3[%get3A_186, %get3A_187, %get3A_188] : memref<16x2048x64xf32, #tpu.memory_space<vmem>>, vector<1x2048x64xf32>
    %get3A_190 = vector.shape_cast %get3A_189 : vector<1x2048x64xf32> to vector<2048x64xf32>
    %dot_general3A_191 = arith.constant dense<0.000000e+00> : vector<256x2048xf32>
    %dot_general3A_192 = tpu.matmul %get3A_185, %get3A_190, %dot_general3A_191 {dimension_numbers = #tpu.dot_dimension_numbers<[1], [1], [0], [0], [0, 0, 1, 0], [], []>, transpose_lhs_hint = false} : vector<256x64xf32>, vector<2048x64xf32>, vector<256x2048xf32> -> vector<256x2048xf32>
    %jit3A_193 = arith.constant -1.000000e+30 : f32
    %broadcast_in_dim3A_194 = vector.broadcast %jit3A_193 : f32 to vector<256x2048xf32>
    %select_n3A_195 = arith.select %gt3A_3, %dot_general3A_192, %broadcast_in_dim3A_194 : vector<256x2048xi1>, vector<256x2048xf32>
    %reduce_max3A_196 = arith.constant dense<0xFF800000> : vector<256xf32>
    %reduce_max3A_197 = vector.multi_reduction <maximumf>, %select_n3A_195, %reduce_max3A_196 [1] : vector<256x2048xf32> to vector<256xf32>
    %dot_general3A_198 = arith.constant dense<0.000000e+00> : vector<256x64xf32>
    %dot_general3A_199 = tpu.matmul %get3A_1, %get3A_190, %dot_general3A_198 {dimension_numbers = #tpu.dot_dimension_numbers<[1], [0], [0], [1], [0, 0, 1, 1], [], []>, transpose_lhs_hint = false} : vector<256x2048xf32>, vector<2048x64xf32>, vector<256x64xf32> -> vector<256x64xf32>
    %mul3A_200 = arith.mulf %get3A_185, %dot_general3A_199 : vector<256x64xf32>
    %reduce_sum3A_201 = arith.constant dense<0.000000e+00> : vector<256xf32>
    %reduce_sum3A_202 = vector.multi_reduction <add>, %mul3A_200, %reduce_sum3A_201 [1] : vector<256x64xf32> to vector<256xf32>
    %mul3A_203 = arith.constant 4.8828125E-4 : f32
    %mul3A_204 = vector.broadcast %mul3A_203 : f32 to vector<256xf32>
    %mul3A_205 = arith.mulf %reduce_sum3A_202, %mul3A_204 : vector<256xf32>
    %sub3A_206 = arith.subf %reduce_max3A_197, %mul3A_205 : vector<256xf32>
    %swap3A_207 = arith.constant 6 : index
    %swap3A_208 = arith.constant 0 : index
    %swap3A_209 = vector.load %arg4[%swap3A_207, %swap3A_208] : memref<16x256xf32, #tpu.memory_space<vmem>>, vector<1x256xf32>
    %swap3A_210 = vector.shape_cast %swap3A_209 : vector<1x256xf32> to vector<256xf32>
    %swap3A_211 = vector.shape_cast %sub3A_206 : vector<256xf32> to vector<1x256xf32>
    tpu.vector_store %arg4[%swap3A_207, %swap3A_208], %swap3A_211 {strides = array<i32>} : memref<16x256xf32, #tpu.memory_space<vmem>>, vector<1x256xf32>,
    %get3A_212 = arith.constant 7 : index
    %get3A_213 = arith.constant 0 : index
    %get3A_214 = arith.constant 0 : index
    %get3A_215 = vector.load %arg2[%get3A_212, %get3A_213, %get3A_214] : memref<16x256x64xf32, #tpu.memory_space<vmem>>, vector<1x256x64xf32>
    %get3A_216 = vector.shape_cast %get3A_215 : vector<1x256x64xf32> to vector<256x64xf32>
    %get3A_217 = arith.constant 7 : index
    %get3A_218 = arith.constant 0 : index
    %get3A_219 = arith.constant 0 : index
    %get3A_220 = vector.load %arg3[%get3A_217, %get3A_218, %get3A_219] : memref<16x2048x64xf32, #tpu.memory_space<vmem>>, vector<1x2048x64xf32>
    %get3A_221 = vector.shape_cast %get3A_220 : vector<1x2048x64xf32> to vector<2048x64xf32>
    %dot_general3A_222 = arith.constant dense<0.000000e+00> : vector<256x2048xf32>
    %dot_general3A_223 = tpu.matmul %get3A_216, %get3A_221, %dot_general3A_222 {dimension_numbers = #tpu.dot_dimension_numbers<[1], [1], [0], [0], [0, 0, 1, 0], [], []>, transpose_lhs_hint = false} : vector<256x64xf32>, vector<2048x64xf32>, vector<256x2048xf32> -> vector<256x2048xf32>
    %jit3A_224 = arith.constant -1.000000e+30 : f32
    %broadcast_in_dim3A_225 = vector.broadcast %jit3A_224 : f32 to vector<256x2048xf32>
    %select_n3A_226 = arith.select %gt3A_3, %dot_general3A_223, %broadcast_in_dim3A_225 : vector<256x2048xi1>, vector<256x2048xf32>
    %reduce_max3A_227 = arith.constant dense<0xFF800000> : vector<256xf32>
    %reduce_max3A_228 = vector.multi_reduction <maximumf>, %select_n3A_226, %reduce_max3A_227 [1] : vector<256x2048xf32> to vector<256xf32>
    %dot_general3A_229 = arith.constant dense<0.000000e+00> : vector<256x64xf32>
    %dot_general3A_230 = tpu.matmul %get3A_1, %get3A_221, %dot_general3A_229 {dimension_numbers = #tpu.dot_dimension_numbers<[1], [0], [0], [1], [0, 0, 1, 1], [], []>, transpose_lhs_hint = false} : vector<256x2048xf32>, vector<2048x64xf32>, vector<256x64xf32> -> vector<256x64xf32>
    %mul3A_231 = arith.mulf %get3A_216, %dot_general3A_230 : vector<256x64xf32>
    %reduce_sum3A_232 = arith.constant dense<0.000000e+00> : vector<256xf32>
    %reduce_sum3A_233 = vector.multi_reduction <add>, %mul3A_231, %reduce_sum3A_232 [1] : vector<256x64xf32> to vector<256xf32>
    %mul3A_234 = arith.constant 4.8828125E-4 : f32
    %mul3A_235 = vector.broadcast %mul3A_234 : f32 to vector<256xf32>
    %mul3A_236 = arith.mulf %reduce_sum3A_233, %mul3A_235 : vector<256xf32>
    %sub3A_237 = arith.subf %reduce_max3A_228, %mul3A_236 : vector<256xf32>
    %swap3A_238 = arith.constant 7 : index
    %swap3A_239 = arith.constant 0 : index
    %swap3A_240 = vector.load %arg4[%swap3A_238, %swap3A_239] : memref<16x256xf32, #tpu.memory_space<vmem>>, vector<1x256xf32>
    %swap3A_241 = vector.shape_cast %swap3A_240 : vector<1x256xf32> to vector<256xf32>
    %swap3A_242 = vector.shape_cast %sub3A_237 : vector<256xf32> to vector<1x256xf32>
    tpu.vector_store %arg4[%swap3A_238, %swap3A_239], %swap3A_242 {strides = array<i32>} : memref<16x256xf32, #tpu.memory_space<vmem>>, vector<1x256xf32>,
    %get3A_243 = arith.constant 8 : index
    %get3A_244 = arith.constant 0 : index
    %get3A_245 = arith.constant 0 : index
    %get3A_246 = vector.load %arg2[%get3A_243, %get3A_244, %get3A_245] : memref<16x256x64xf32, #tpu.memory_space<vmem>>, vector<1x256x64xf32>
    %get3A_247 = vector.shape_cast %get3A_246 : vector<1x256x64xf32> to vector<256x64xf32>
    %get3A_248 = arith.constant 8 : index
    %get3A_249 = arith.constant 0 : index
    %get3A_250 = arith.constant 0 : index
    %get3A_251 = vector.load %arg3[%get3A_248, %get3A_249, %get3A_250] : memref<16x2048x64xf32, #tpu.memory_space<vmem>>, vector<1x2048x64xf32>
    %get3A_252 = vector.shape_cast %get3A_251 : vector<1x2048x64xf32> to vector<2048x64xf32>
    %dot_general3A_253 = arith.constant dense<0.000000e+00> : vector<256x2048xf32>
    %dot_general3A_254 = tpu.matmul %get3A_247, %get3A_252, %dot_general3A_253 {dimension_numbers = #tpu.dot_dimension_numbers<[1], [1], [0], [0], [0, 0, 1, 0], [], []>, transpose_lhs_hint = false} : vector<256x64xf32>, vector<2048x64xf32>, vector<256x2048xf32> -> vector<256x2048xf32>
    %jit3A_255 = arith.constant -1.000000e+30 : f32
    %broadcast_in_dim3A_256 = vector.broadcast %jit3A_255 : f32 to vector<256x2048xf32>
    %select_n3A_257 = arith.select %gt3A_3, %dot_general3A_254, %broadcast_in_dim3A_256 : vector<256x2048xi1>, vector<256x2048xf32>
    %reduce_max3A_258 = arith.constant dense<0xFF800000> : vector<256xf32>
    %reduce_max3A_259 = vector.multi_reduction <maximumf>, %select_n3A_257, %reduce_max3A_258 [1] : vector<256x2048xf32> to vector<256xf32>
    %dot_general3A_260 = arith.constant dense<0.000000e+00> : vector<256x64xf32>
    %dot_general3A_261 = tpu.matmul %get3A_1, %get3A_252, %dot_general3A_260 {dimension_numbers = #tpu.dot_dimension_numbers<[1], [0], [0], [1], [0, 0, 1, 1], [], []>, transpose_lhs_hint = false} : vector<256x2048xf32>, vector<2048x64xf32>, vector<256x64xf32> -> vector<256x64xf32>
    %mul3A_262 = arith.mulf %get3A_247, %dot_general3A_261 : vector<256x64xf32>
    %reduce_sum3A_263 = arith.constant dense<0.000000e+00> : vector<256xf32>
    %reduce_sum3A_264 = vector.multi_reduction <add>, %mul3A_262, %reduce_sum3A_263 [1] : vector<256x64xf32> to vector<256xf32>
    %mul3A_265 = arith.constant 4.8828125E-4 : f32
    %mul3A_266 = vector.broadcast %mul3A_265 : f32 to vector<256xf32>
    %mul3A_267 = arith.mulf %reduce_sum3A_264, %mul3A_266 : vector<256xf32>
    %sub3A_268 = arith.subf %reduce_max3A_259, %mul3A_267 : vector<256xf32>
    %swap3A_269 = arith.constant 8 : index
    %swap3A_270 = arith.constant 0 : index
    %swap3A_271 = vector.load %arg4[%swap3A_269, %swap3A_270] : memref<16x256xf32, #tpu.memory_space<vmem>>, vector<1x256xf32>
    %swap3A_272 = vector.shape_cast %swap3A_271 : vector<1x256xf32> to vector<256xf32>
    %swap3A_273 = vector.shape_cast %sub3A_268 : vector<256xf32> to vector<1x256xf32>
    tpu.vector_store %arg4[%swap3A_269, %swap3A_270], %swap3A_273 {strides = array<i32>} : memref<16x256xf32, #tpu.memory_space<vmem>>, vector<1x256xf32>,
    %get3A_274 = arith.constant 9 : index
    %get3A_275 = arith.constant 0 : index
    %get3A_276 = arith.constant 0 : index
    %get3A_277 = vector.load %arg2[%get3A_274, %get3A_275, %get3A_276] : memref<16x256x64xf32, #tpu.memory_space<vmem>>, vector<1x256x64xf32>
    %get3A_278 = vector.shape_cast %get3A_277 : vector<1x256x64xf32> to vector<256x64xf32>
    %get3A_279 = arith.constant 9 : index
    %get3A_280 = arith.constant 0 : index
    %get3A_281 = arith.constant 0 : index
    %get3A_282 = vector.load %arg3[%get3A_279, %get3A_280, %get3A_281] : memref<16x2048x64xf32, #tpu.memory_space<vmem>>, vector<1x2048x64xf32>
    %get3A_283 = vector.shape_cast %get3A_282 : vector<1x2048x64xf32> to vector<2048x64xf32>
    %dot_general3A_284 = arith.constant dense<0.000000e+00> : vector<256x2048xf32>
    %dot_general3A_285 = tpu.matmul %get3A_278, %get3A_283, %dot_general3A_284 {dimension_numbers = #tpu.dot_dimension_numbers<[1], [1], [0], [0], [0, 0, 1, 0], [], []>, transpose_lhs_hint = false} : vector<256x64xf32>, vector<2048x64xf32>, vector<256x2048xf32> -> vector<256x2048xf32>
    %jit3A_286 = arith.constant -1.000000e+30 : f32
    %broadcast_in_dim3A_287 = vector.broadcast %jit3A_286 : f32 to vector<256x2048xf32>
    %select_n3A_288 = arith.select %gt3A_3, %dot_general3A_285, %broadcast_in_dim3A_287 : vector<256x2048xi1>, vector<256x2048xf32>
    %reduce_max3A_289 = arith.constant dense<0xFF800000> : vector<256xf32>
    %reduce_max3A_290 = vector.multi_reduction <maximumf>, %select_n3A_288, %reduce_max3A_289 [1] : vector<256x2048xf32> to vector<256xf32>
    %dot_general3A_291 = arith.constant dense<0.000000e+00> : vector<256x64xf32>
    %dot_general3A_292 = tpu.matmul %get3A_1, %get3A_283, %dot_general3A_291 {dimension_numbers = #tpu.dot_dimension_numbers<[1], [0], [0], [1], [0, 0, 1, 1], [], []>, transpose_lhs_hint = false} : vector<256x2048xf32>, vector<2048x64xf32>, vector<256x64xf32> -> vector<256x64xf32>
    %mul3A_293 = arith.mulf %get3A_278, %dot_general3A_292 : vector<256x64xf32>
    %reduce_sum3A_294 = arith.constant dense<0.000000e+00> : vector<256xf32>
    %reduce_sum3A_295 = vector.multi_reduction <add>, %mul3A_293, %reduce_sum3A_294 [1] : vector<256x64xf32> to vector<256xf32>
    %mul3A_296 = arith.constant 4.8828125E-4 : f32
    %mul3A_297 = vector.broadcast %mul3A_296 : f32 to vector<256xf32>
    %mul3A_298 = arith.mulf %reduce_sum3A_295, %mul3A_297 : vector<256xf32>
    %sub3A_299 = arith.subf %reduce_max3A_290, %mul3A_298 : vector<256xf32>
    %swap3A_300 = arith.constant 9 : index
    %swap3A_301 = arith.constant 0 : index
    %swap3A_302 = vector.load %arg4[%swap3A_300, %swap3A_301] : memref<16x256xf32, #tpu.memory_space<vmem>>, vector<1x256xf32>
    %swap3A_303 = vector.shape_cast %swap3A_302 : vector<1x256xf32> to vector<256xf32>
    %swap3A_304 = vector.shape_cast %sub3A_299 : vector<256xf32> to vector<1x256xf32>
    tpu.vector_store %arg4[%swap3A_300, %swap3A_301], %swap3A_304 {strides = array<i32>} : memref<16x256xf32, #tpu.memory_space<vmem>>, vector<1x256xf32>,
    %get3A_305 = arith.constant 10 : index
    %get3A_306 = arith.constant 0 : index
    %get3A_307 = arith.constant 0 : index
    %get3A_308 = vector.load %arg2[%get3A_305, %get3A_306, %get3A_307] : memref<16x256x64xf32, #tpu.memory_space<vmem>>, vector<1x256x64xf32>
    %get3A_309 = vector.shape_cast %get3A_308 : vector<1x256x64xf32> to vector<256x64xf32>
    %get3A_310 = arith.constant 10 : index
    %get3A_311 = arith.constant 0 : index
    %get3A_312 = arith.constant 0 : index
    %get3A_313 = vector.load %arg3[%get3A_310, %get3A_311, %get3A_312] : memref<16x2048x64xf32, #tpu.memory_space<vmem>>, vector<1x2048x64xf32>
    %get3A_314 = vector.shape_cast %get3A_313 : vector<1x2048x64xf32> to vector<2048x64xf32>
    %dot_general3A_315 = arith.constant dense<0.000000e+00> : vector<256x2048xf32>
    %dot_general3A_316 = tpu.matmul %get3A_309, %get3A_314, %dot_general3A_315 {dimension_numbers = #tpu.dot_dimension_numbers<[1], [1], [0], [0], [0, 0, 1, 0], [], []>, transpose_lhs_hint = false} : vector<256x64xf32>, vector<2048x64xf32>, vector<256x2048xf32> -> vector<256x2048xf32>
    %jit3A_317 = arith.constant -1.000000e+30 : f32
    %broadcast_in_dim3A_318 = vector.broadcast %jit3A_317 : f32 to vector<256x2048xf32>
    %select_n3A_319 = arith.select %gt3A_3, %dot_general3A_316, %broadcast_in_dim3A_318 : vector<256x2048xi1>, vector<256x2048xf32>
    %reduce_max3A_320 = arith.constant dense<0xFF800000> : vector<256xf32>
    %reduce_max3A_321 = vector.multi_reduction <maximumf>, %select_n3A_319, %reduce_max3A_320 [1] : vector<256x2048xf32> to vector<256xf32>
    %dot_general3A_322 = arith.constant dense<0.000000e+00> : vector<256x64xf32>
    %dot_general3A_323 = tpu.matmul %get3A_1, %get3A_314, %dot_general3A_322 {dimension_numbers = #tpu.dot_dimension_numbers<[1], [0], [0], [1], [0, 0, 1, 1], [], []>, transpose_lhs_hint = false} : vector<256x2048xf32>, vector<2048x64xf32>, vector<256x64xf32> -> vector<256x64xf32>
    %mul3A_324 = arith.mulf %get3A_309, %dot_general3A_323 : vector<256x64xf32>
    %reduce_sum3A_325 = arith.constant dense<0.000000e+00> : vector<256xf32>
    %reduce_sum3A_326 = vector.multi_reduction <add>, %mul3A_324, %reduce_sum3A_325 [1] : vector<256x64xf32> to vector<256xf32>
    %mul3A_327 = arith.constant 4.8828125E-4 : f32
    %mul3A_328 = vector.broadcast %mul3A_327 : f32 to vector<256xf32>
    %mul3A_329 = arith.mulf %reduce_sum3A_326, %mul3A_328 : vector<256xf32>
    %sub3A_330 = arith.subf %reduce_max3A_321, %mul3A_329 : vector<256xf32>
    %swap3A_331 = arith.constant 10 : index
    %swap3A_332 = arith.constant 0 : index
    %swap3A_333 = vector.load %arg4[%swap3A_331, %swap3A_332] : memref<16x256xf32, #tpu.memory_space<vmem>>, vector<1x256xf32>
    %swap3A_334 = vector.shape_cast %swap3A_333 : vector<1x256xf32> to vector<256xf32>
    %swap3A_335 = vector.shape_cast %sub3A_330 : vector<256xf32> to vector<1x256xf32>
    tpu.vector_store %arg4[%swap3A_331, %swap3A_332], %swap3A_335 {strides = array<i32>} : memref<16x256xf32, #tpu.memory_space<vmem>>, vector<1x256xf32>,
    %get3A_336 = arith.constant 11 : index
    %get3A_337 = arith.constant 0 : index
    %get3A_338 = arith.constant 0 : index
    %get3A_339 = vector.load %arg2[%get3A_336, %get3A_337, %get3A_338] : memref<16x256x64xf32, #tpu.memory_space<vmem>>, vector<1x256x64xf32>
    %get3A_340 = vector.shape_cast %get3A_339 : vector<1x256x64xf32> to vector<256x64xf32>
    %get3A_341 = arith.constant 11 : index
    %get3A_342 = arith.constant 0 : index
    %get3A_343 = arith.constant 0 : index
    %get3A_344 = vector.load %arg3[%get3A_341, %get3A_342, %get3A_343] : memref<16x2048x64xf32, #tpu.memory_space<vmem>>, vector<1x2048x64xf32>
    %get3A_345 = vector.shape_cast %get3A_344 : vector<1x2048x64xf32> to vector<2048x64xf32>
    %dot_general3A_346 = arith.constant dense<0.000000e+00> : vector<256x2048xf32>
    %dot_general3A_347 = tpu.matmul %get3A_340, %get3A_345, %dot_general3A_346 {dimension_numbers = #tpu.dot_dimension_numbers<[1], [1], [0], [0], [0, 0, 1, 0], [], []>, transpose_lhs_hint = false} : vector<256x64xf32>, vector<2048x64xf32>, vector<256x2048xf32> -> vector<256x2048xf32>
    %jit3A_348 = arith.constant -1.000000e+30 : f32
    %broadcast_in_dim3A_349 = vector.broadcast %jit3A_348 : f32 to vector<256x2048xf32>
    %select_n3A_350 = arith.select %gt3A_3, %dot_general3A_347, %broadcast_in_dim3A_349 : vector<256x2048xi1>, vector<256x2048xf32>
    %reduce_max3A_351 = arith.constant dense<0xFF800000> : vector<256xf32>
    %reduce_max3A_352 = vector.multi_reduction <maximumf>, %select_n3A_350, %reduce_max3A_351 [1] : vector<256x2048xf32> to vector<256xf32>
    %dot_general3A_353 = arith.constant dense<0.000000e+00> : vector<256x64xf32>
    %dot_general3A_354 = tpu.matmul %get3A_1, %get3A_345, %dot_general3A_353 {dimension_numbers = #tpu.dot_dimension_numbers<[1], [0], [0], [1], [0, 0, 1, 1], [], []>, transpose_lhs_hint = false} : vector<256x2048xf32>, vector<2048x64xf32>, vector<256x64xf32> -> vector<256x64xf32>
    %mul3A_355 = arith.mulf %get3A_340, %dot_general3A_354 : vector<256x64xf32>
    %reduce_sum3A_356 = arith.constant dense<0.000000e+00> : vector<256xf32>
    %reduce_sum3A_357 = vector.multi_reduction <add>, %mul3A_355, %reduce_sum3A_356 [1] : vector<256x64xf32> to vector<256xf32>
    %mul3A_358 = arith.constant 4.8828125E-4 : f32
    %mul3A_359 = vector.broadcast %mul3A_358 : f32 to vector<256xf32>
    %mul3A_360 = arith.mulf %reduce_sum3A_357, %mul3A_359 : vector<256xf32>
    %sub3A_361 = arith.subf %reduce_max3A_352, %mul3A_360 : vector<256xf32>
    %swap3A_362 = arith.constant 11 : index
    %swap3A_363 = arith.constant 0 : index
    %swap3A_364 = vector.load %arg4[%swap3A_362, %swap3A_363] : memref<16x256xf32, #tpu.memory_space<vmem>>, vector<1x256xf32>
    %swap3A_365 = vector.shape_cast %swap3A_364 : vector<1x256xf32> to vector<256xf32>
    %swap3A_366 = vector.shape_cast %sub3A_361 : vector<256xf32> to vector<1x256xf32>
    tpu.vector_store %arg4[%swap3A_362, %swap3A_363], %swap3A_366 {strides = array<i32>} : memref<16x256xf32, #tpu.memory_space<vmem>>, vector<1x256xf32>,
    %get3A_367 = arith.constant 12 : index
    %get3A_368 = arith.constant 0 : index
    %get3A_369 = arith.constant 0 : index
    %get3A_370 = vector.load %arg2[%get3A_367, %get3A_368, %get3A_369] : memref<16x256x64xf32, #tpu.memory_space<vmem>>, vector<1x256x64xf32>
    %get3A_371 = vector.shape_cast %get3A_370 : vector<1x256x64xf32> to vector<256x64xf32>
    %get3A_372 = arith.constant 12 : index
    %get3A_373 = arith.constant 0 : index
    %get3A_374 = arith.constant 0 : index
    %get3A_375 = vector.load %arg3[%get3A_372, %get3A_373, %get3A_374] : memref<16x2048x64xf32, #tpu.memory_space<vmem>>, vector<1x2048x64xf32>
    %get3A_376 = vector.shape_cast %get3A_375 : vector<1x2048x64xf32> to vector<2048x64xf32>
    %dot_general3A_377 = arith.constant dense<0.000000e+00> : vector<256x2048xf32>
    %dot_general3A_378 = tpu.matmul %get3A_371, %get3A_376, %dot_general3A_377 {dimension_numbers = #tpu.dot_dimension_numbers<[1], [1], [0], [0], [0, 0, 1, 0], [], []>, transpose_lhs_hint = false} : vector<256x64xf32>, vector<2048x64xf32>, vector<256x2048xf32> -> vector<256x2048xf32>
    %jit3A_379 = arith.constant -1.000000e+30 : f32
    %broadcast_in_dim3A_380 = vector.broadcast %jit3A_379 : f32 to vector<256x2048xf32>
    %select_n3A_381 = arith.select %gt3A_3, %dot_general3A_378, %broadcast_in_dim3A_380 : vector<256x2048xi1>, vector<256x2048xf32>
    %reduce_max3A_382 = arith.constant dense<0xFF800000> : vector<256xf32>
    %reduce_max3A_383 = vector.multi_reduction <maximumf>, %select_n3A_381, %reduce_max3A_382 [1] : vector<256x2048xf32> to vector<256xf32>
    %dot_general3A_384 = arith.constant dense<0.000000e+00> : vector<256x64xf32>
    %dot_general3A_385 = tpu.matmul %get3A_1, %get3A_376, %dot_general3A_384 {dimension_numbers = #tpu.dot_dimension_numbers<[1], [0], [0], [1], [0, 0, 1, 1], [], []>, transpose_lhs_hint = false} : vector<256x2048xf32>, vector<2048x64xf32>, vector<256x64xf32> -> vector<256x64xf32>
    %mul3A_386 = arith.mulf %get3A_371, %dot_general3A_385 : vector<256x64xf32>
    %reduce_sum3A_387 = arith.constant dense<0.000000e+00> : vector<256xf32>
    %reduce_sum3A_388 = vector.multi_reduction <add>, %mul3A_386, %reduce_sum3A_387 [1] : vector<256x64xf32> to vector<256xf32>
    %mul3A_389 = arith.constant 4.8828125E-4 : f32
    %mul3A_390 = vector.broadcast %mul3A_389 : f32 to vector<256xf32>
    %mul3A_391 = arith.mulf %reduce_sum3A_388, %mul3A_390 : vector<256xf32>
    %sub3A_392 = arith.subf %reduce_max3A_383, %mul3A_391 : vector<256xf32>
    %swap3A_393 = arith.constant 12 : index
    %swap3A_394 = arith.constant 0 : index
    %swap3A_395 = vector.load %arg4[%swap3A_393, %swap3A_394] : memref<16x256xf32, #tpu.memory_space<vmem>>, vector<1x256xf32>
    %swap3A_396 = vector.shape_cast %swap3A_395 : vector<1x256xf32> to vector<256xf32>
    %swap3A_397 = vector.shape_cast %sub3A_392 : vector<256xf32> to vector<1x256xf32>
    tpu.vector_store %arg4[%swap3A_393, %swap3A_394], %swap3A_397 {strides = array<i32>} : memref<16x256xf32, #tpu.memory_space<vmem>>, vector<1x256xf32>,
    %get3A_398 = arith.constant 13 : index
    %get3A_399 = arith.constant 0 : index
    %get3A_400 = arith.constant 0 : index
    %get3A_401 = vector.load %arg2[%get3A_398, %get3A_399, %get3A_400] : memref<16x256x64xf32, #tpu.memory_space<vmem>>, vector<1x256x64xf32>
    %get3A_402 = vector.shape_cast %get3A_401 : vector<1x256x64xf32> to vector<256x64xf32>
    %get3A_403 = arith.constant 13 : index
    %get3A_404 = arith.constant 0 : index
    %get3A_405 = arith.constant 0 : index
    %get3A_406 = vector.load %arg3[%get3A_403, %get3A_404, %get3A_405] : memref<16x2048x64xf32, #tpu.memory_space<vmem>>, vector<1x2048x64xf32>
    %get3A_407 = vector.shape_cast %get3A_406 : vector<1x2048x64xf32> to vector<2048x64xf32>
    %dot_general3A_408 = arith.constant dense<0.000000e+00> : vector<256x2048xf32>
    %dot_general3A_409 = tpu.matmul %get3A_402, %get3A_407, %dot_general3A_408 {dimension_numbers = #tpu.dot_dimension_numbers<[1], [1], [0], [0], [0, 0, 1, 0], [], []>, transpose_lhs_hint = false} : vector<256x64xf32>, vector<2048x64xf32>, vector<256x2048xf32> -> vector<256x2048xf32>
    %jit3A_410 = arith.constant -1.000000e+30 : f32
    %broadcast_in_dim3A_411 = vector.broadcast %jit3A_410 : f32 to vector<256x2048xf32>
    %select_n3A_412 = arith.select %gt3A_3, %dot_general3A_409, %broadcast_in_dim3A_411 : vector<256x2048xi1>, vector<256x2048xf32>
    %reduce_max3A_413 = arith.constant dense<0xFF800000> : vector<256xf32>
    %reduce_max3A_414 = vector.multi_reduction <maximumf>, %select_n3A_412, %reduce_max3A_413 [1] : vector<256x2048xf32> to vector<256xf32>
    %dot_general3A_415 = arith.constant dense<0.000000e+00> : vector<256x64xf32>
    %dot_general3A_416 = tpu.matmul %get3A_1, %get3A_407, %dot_general3A_415 {dimension_numbers = #tpu.dot_dimension_numbers<[1], [0], [0], [1], [0, 0, 1, 1], [], []>, transpose_lhs_hint = false} : vector<256x2048xf32>, vector<2048x64xf32>, vector<256x64xf32> -> vector<256x64xf32>
    %mul3A_417 = arith.mulf %get3A_402, %dot_general3A_416 : vector<256x64xf32>
    %reduce_sum3A_418 = arith.constant dense<0.000000e+00> : vector<256xf32>
    %reduce_sum3A_419 = vector.multi_reduction <add>, %mul3A_417, %reduce_sum3A_418 [1] : vector<256x64xf32> to vector<256xf32>
    %mul3A_420 = arith.constant 4.8828125E-4 : f32
    %mul3A_421 = vector.broadcast %mul3A_420 : f32 to vector<256xf32>
    %mul3A_422 = arith.mulf %reduce_sum3A_419, %mul3A_421 : vector<256xf32>
    %sub3A_423 = arith.subf %reduce_max3A_414, %mul3A_422 : vector<256xf32>
    %swap3A_424 = arith.constant 13 : index
    %swap3A_425 = arith.constant 0 : index
    %swap3A_426 = vector.load %arg4[%swap3A_424, %swap3A_425] : memref<16x256xf32, #tpu.memory_space<vmem>>, vector<1x256xf32>
    %swap3A_427 = vector.shape_cast %swap3A_426 : vector<1x256xf32> to vector<256xf32>
    %swap3A_428 = vector.shape_cast %sub3A_423 : vector<256xf32> to vector<1x256xf32>
    tpu.vector_store %arg4[%swap3A_424, %swap3A_425], %swap3A_428 {strides = array<i32>} : memref<16x256xf32, #tpu.memory_space<vmem>>, vector<1x256xf32>,
    %get3A_429 = arith.constant 14 : index
    %get3A_430 = arith.constant 0 : index
    %get3A_431 = arith.constant 0 : index
    %get3A_432 = vector.load %arg2[%get3A_429, %get3A_430, %get3A_431] : memref<16x256x64xf32, #tpu.memory_space<vmem>>, vector<1x256x64xf32>
    %get3A_433 = vector.shape_cast %get3A_432 : vector<1x256x64xf32> to vector<256x64xf32>
    %get3A_434 = arith.constant 14 : index
    %get3A_435 = arith.constant 0 : index
    %get3A_436 = arith.constant 0 : index
    %get3A_437 = vector.load %arg3[%get3A_434, %get3A_435, %get3A_436] : memref<16x2048x64xf32, #tpu.memory_space<vmem>>, vector<1x2048x64xf32>
    %get3A_438 = vector.shape_cast %get3A_437 : vector<1x2048x64xf32> to vector<2048x64xf32>
    %dot_general3A_439 = arith.constant dense<0.000000e+00> : vector<256x2048xf32>
    %dot_general3A_440 = tpu.matmul %get3A_433, %get3A_438, %dot_general3A_439 {dimension_numbers = #tpu.dot_dimension_numbers<[1], [1], [0], [0], [0, 0, 1, 0], [], []>, transpose_lhs_hint = false} : vector<256x64xf32>, vector<2048x64xf32>, vector<256x2048xf32> -> vector<256x2048xf32>
    %jit3A_441 = arith.constant -1.000000e+30 : f32
    %broadcast_in_dim3A_442 = vector.broadcast %jit3A_441 : f32 to vector<256x2048xf32>
    %select_n3A_443 = arith.select %gt3A_3, %dot_general3A_440, %broadcast_in_dim3A_442 : vector<256x2048xi1>, vector<256x2048xf32>
    %reduce_max3A_444 = arith.constant dense<0xFF800000> : vector<256xf32>
    %reduce_max3A_445 = vector.multi_reduction <maximumf>, %select_n3A_443, %reduce_max3A_444 [1] : vector<256x2048xf32> to vector<256xf32>
    %dot_general3A_446 = arith.constant dense<0.000000e+00> : vector<256x64xf32>
    %dot_general3A_447 = tpu.matmul %get3A_1, %get3A_438, %dot_general3A_446 {dimension_numbers = #tpu.dot_dimension_numbers<[1], [0], [0], [1], [0, 0, 1, 1], [], []>, transpose_lhs_hint = false} : vector<256x2048xf32>, vector<2048x64xf32>, vector<256x64xf32> -> vector<256x64xf32>
    %mul3A_448 = arith.mulf %get3A_433, %dot_general3A_447 : vector<256x64xf32>
    %reduce_sum3A_449 = arith.constant dense<0.000000e+00> : vector<256xf32>
    %reduce_sum3A_450 = vector.multi_reduction <add>, %mul3A_448, %reduce_sum3A_449 [1] : vector<256x64xf32> to vector<256xf32>
    %mul3A_451 = arith.constant 4.8828125E-4 : f32
    %mul3A_452 = vector.broadcast %mul3A_451 : f32 to vector<256xf32>
    %mul3A_453 = arith.mulf %reduce_sum3A_450, %mul3A_452 : vector<256xf32>
    %sub3A_454 = arith.subf %reduce_max3A_445, %mul3A_453 : vector<256xf32>
    %swap3A_455 = arith.constant 14 : index
    %swap3A_456 = arith.constant 0 : index
    %swap3A_457 = vector.load %arg4[%swap3A_455, %swap3A_456] : memref<16x256xf32, #tpu.memory_space<vmem>>, vector<1x256xf32>
    %swap3A_458 = vector.shape_cast %swap3A_457 : vector<1x256xf32> to vector<256xf32>
    %swap3A_459 = vector.shape_cast %sub3A_454 : vector<256xf32> to vector<1x256xf32>
    tpu.vector_store %arg4[%swap3A_455, %swap3A_456], %swap3A_459 {strides = array<i32>} : memref<16x256xf32, #tpu.memory_space<vmem>>, vector<1x256xf32>,
    %get3A_460 = arith.constant 15 : index
    %get3A_461 = arith.constant 0 : index
    %get3A_462 = arith.constant 0 : index
    %get3A_463 = vector.load %arg2[%get3A_460, %get3A_461, %get3A_462] : memref<16x256x64xf32, #tpu.memory_space<vmem>>, vector<1x256x64xf32>
    %get3A_464 = vector.shape_cast %get3A_463 : vector<1x256x64xf32> to vector<256x64xf32>
    %get3A_465 = arith.constant 15 : index
    %get3A_466 = arith.constant 0 : index
    %get3A_467 = arith.constant 0 : index
    %get3A_468 = vector.load %arg3[%get3A_465, %get3A_466, %get3A_467] : memref<16x2048x64xf32, #tpu.memory_space<vmem>>, vector<1x2048x64xf32>
    %get3A_469 = vector.shape_cast %get3A_468 : vector<1x2048x64xf32> to vector<2048x64xf32>
    %dot_general3A_470 = arith.constant dense<0.000000e+00> : vector<256x2048xf32>
    %dot_general3A_471 = tpu.matmul %get3A_464, %get3A_469, %dot_general3A_470 {dimension_numbers = #tpu.dot_dimension_numbers<[1], [1], [0], [0], [0, 0, 1, 0], [], []>, transpose_lhs_hint = false} : vector<256x64xf32>, vector<2048x64xf32>, vector<256x2048xf32> -> vector<256x2048xf32>
    %jit3A_472 = arith.constant -1.000000e+30 : f32
    %broadcast_in_dim3A_473 = vector.broadcast %jit3A_472 : f32 to vector<256x2048xf32>
    %select_n3A_474 = arith.select %gt3A_3, %dot_general3A_471, %broadcast_in_dim3A_473 : vector<256x2048xi1>, vector<256x2048xf32>
    %reduce_max3A_475 = arith.constant dense<0xFF800000> : vector<256xf32>
    %reduce_max3A_476 = vector.multi_reduction <maximumf>, %select_n3A_474, %reduce_max3A_475 [1] : vector<256x2048xf32> to vector<256xf32>
    %dot_general3A_477 = arith.constant dense<0.000000e+00> : vector<256x64xf32>
    %dot_general3A_478 = tpu.matmul %get3A_1, %get3A_469, %dot_general3A_477 {dimension_numbers = #tpu.dot_dimension_numbers<[1], [0], [0], [1], [0, 0, 1, 1], [], []>, transpose_lhs_hint = false} : vector<256x2048xf32>, vector<2048x64xf32>, vector<256x64xf32> -> vector<256x64xf32>
    %mul3A_479 = arith.mulf %get3A_464, %dot_general3A_478 : vector<256x64xf32>
    %reduce_sum3A_480 = arith.constant dense<0.000000e+00> : vector<256xf32>
    %reduce_sum3A_481 = vector.multi_reduction <add>, %mul3A_479, %reduce_sum3A_480 [1] : vector<256x64xf32> to vector<256xf32>
    %mul3A_482 = arith.constant 4.8828125E-4 : f32
    %mul3A_483 = vector.broadcast %mul3A_482 : f32 to vector<256xf32>
    %mul3A_484 = arith.mulf %reduce_sum3A_481, %mul3A_483 : vector<256xf32>
    %sub3A_485 = arith.subf %reduce_max3A_476, %mul3A_484 : vector<256xf32>
    %swap3A_486 = arith.constant 15 : index
    %swap3A_487 = arith.constant 0 : index
    %swap3A_488 = vector.load %arg4[%swap3A_486, %swap3A_487] : memref<16x256xf32, #tpu.memory_space<vmem>>, vector<1x256xf32>
    %swap3A_489 = vector.shape_cast %swap3A_488 : vector<1x256xf32> to vector<256xf32>
    %swap3A_490 = vector.shape_cast %sub3A_485 : vector<256xf32> to vector<1x256xf32>
    tpu.vector_store %arg4[%swap3A_486, %swap3A_487], %swap3A_490 {strides = array<i32>} : memref<16x256xf32, #tpu.memory_space<vmem>>, vector<1x256xf32>,
    return
  }
  func.func @transform_0(%arg0: i32) -> (i32, i32) {
    %c0_i32 = arith.constant 0 : i32
    %c0_i32_0 = arith.constant 0 : i32
    return %arg0, %c0_i32 : i32, i32
  }
  func.func @transform_1(%arg0: i32) -> (i32, i32, i32) {
    %c0_i32 = arith.constant 0 : i32
    %c0_i32_0 = arith.constant 0 : i32
    %c0_i32_1 = arith.constant 0 : i32
    return %c0_i32, %arg0, %c0_i32_0 : i32, i32, i32
  }
  func.func @transform_2(%arg0: i32) -> (i32, i32, i32) {
    %c0_i32 = arith.constant 0 : i32
    %c0_i32_0 = arith.constant 0 : i32
    %c0_i32_1 = arith.constant 0 : i32
    %c0_i32_2 = arith.constant 0 : i32
    return %c0_i32, %c0_i32_0, %c0_i32_1 : i32, i32, i32
  }
  func.func @transform_3(%arg0: i32) -> (i32, i32) {
    %c0_i32 = arith.constant 0 : i32
    %c0_i32_0 = arith.constant 0 : i32
    return %c0_i32, %arg0 : i32, i32
  }
}

module attributes {stable_mosaic.version = 14 : i64} {
  func.func @_phase_b(%arg0: i32, %arg1: memref<1x1x2048xf32, #tpu.memory_space<vmem>>, %arg2: memref<1x2048x64xf32, #tpu.memory_space<vmem>>, %arg3: memref<1x2048x64xf32, #tpu.memory_space<vmem>>, %arg4: memref<1x2048x64xf32, #tpu.memory_space<vmem>>, %arg5: memref<1x2048x64xf32, #tpu.memory_space<vmem>>) attributes {dimension_semantics = [#tpu.dimension_semantics<arbitrary>], iteration_bounds = array<i64: 16>, scalar_prefetch = 0 : i64, scratch_operands = 0 : i64, tpu.core_type = #tpu.core_type<tc>, window_params = [{transform_indices = @transform_0, window_bounds = array<i64: 1, 1, 2048>}, {transform_indices = @transform_1, window_bounds = array<i64: 1, 2048, 64>}, {transform_indices = @transform_2, window_bounds = array<i64: 1, 2048, 64>}, {transform_indices = @transform_3, window_bounds = array<i64: 1, 2048, 64>}, {transform_indices = @transform_4, window_bounds = array<i64: 1, 2048, 64>}]} {
    %get3A = arith.constant 0 : index
    %get3A_0 = arith.constant 0 : index
    %get3A_1 = arith.constant 0 : index
    %get3A_2 = vector.load %arg1[%get3A, %get3A_0, %get3A_1] : memref<1x1x2048xf32, #tpu.memory_space<vmem>>, vector<1x1x2048xf32>
    %get3A_3 = vector.shape_cast %get3A_2 : vector<1x1x2048xf32> to vector<1x2048xf32>
    %get3A_4 = arith.constant 0 : index
    %get3A_5 = arith.constant 0 : index
    %get3A_6 = arith.constant 0 : index
    %get3A_7 = vector.load %arg2[%get3A_4, %get3A_5, %get3A_6] : memref<1x2048x64xf32, #tpu.memory_space<vmem>>, vector<1x2048x64xf32>
    %get3A_8 = vector.shape_cast %get3A_7 : vector<1x2048x64xf32> to vector<2048x64xf32>
    %get3A_9 = arith.constant 0 : index
    %get3A_10 = arith.constant 0 : index
    %get3A_11 = arith.constant 0 : index
    %get3A_12 = vector.load %arg3[%get3A_9, %get3A_10, %get3A_11] : memref<1x2048x64xf32, #tpu.memory_space<vmem>>, vector<1x2048x64xf32>
    %get3A_13 = vector.shape_cast %get3A_12 : vector<1x2048x64xf32> to vector<2048x64xf32>
    %get3A_14 = arith.constant 0 : index
    %get3A_15 = arith.constant 0 : index
    %get3A_16 = arith.constant 0 : index
    %get3A_17 = vector.load %arg4[%get3A_14, %get3A_15, %get3A_16] : memref<1x2048x64xf32, #tpu.memory_space<vmem>>, vector<1x2048x64xf32>
    %get3A_18 = vector.shape_cast %get3A_17 : vector<1x2048x64xf32> to vector<2048x64xf32>
    %iota3A = tpu.iota {dimensions = array<i32: 1>} : vector<1x2048xi32>
    %iota3A_19 = tpu.iota {dimensions = array<i32: 0>} : vector<40x1xi32>
    %broadcast_in_dim3A = arith.constant 0 : i32
    %broadcast_in_dim3A_20 = vector.broadcast %broadcast_in_dim3A : i32 to vector<40x1xi32>
    %scan3A = arith.constant 0 : i32
    %scan3A_21 = arith.constant 40 : i32
    %scan3A_22 = arith.addi %scan3A, %scan3A_21 : i32
    %scan3A_23 = arith.constant 1 : i32
    %scan3A_24:2 = scf.for %scan3A_65 = %scan3A to %scan3A_22 step %scan3A_23 iter_args(%scan3A_66 = %get3A_3, %scan3A_67 = %broadcast_in_dim3A_20) -> (vector<1x2048xf32>, vector<40x1xi32>)  : i32 {
      %reduce_max3A_68 = arith.constant dense<0xFF800000> : vector<1xf32>
      %reduce_max3A_69 = vector.multi_reduction <maximumf>, %scan3A_66, %reduce_max3A_68 [1] : vector<1x2048xf32> to vector<1xf32>
      %broadcast_in_dim3A_70 = vector.shape_cast %reduce_max3A_69 : vector<1xf32> to vector<1x1xf32>
      %eq3A_71 = vector.broadcast %broadcast_in_dim3A_70 : vector<1x1xf32> to vector<1x2048xf32>
      %eq3A_72 = arith.cmpf oeq, %scan3A_66, %eq3A_71 : vector<1x2048xf32>
      %jit3A = arith.constant 2048 : i32
      %broadcast_in_dim3A_73 = vector.broadcast %jit3A : i32 to vector<1x2048xi32>
      %select_n3A_74 = arith.select %eq3A_72, %iota3A, %broadcast_in_dim3A_73 : vector<1x2048xi1>, vector<1x2048xi32>
      %reduce_min3A = arith.constant dense<2147483647> : vector<1xi32>
      %reduce_min3A_75 = vector.multi_reduction <minsi>, %select_n3A_74, %reduce_min3A [1] : vector<1x2048xi32> to vector<1xi32>
      %broadcast_in_dim3A_76 = vector.shape_cast %reduce_min3A_75 : vector<1xi32> to vector<1x1xi32>
      %eq3A_77 = vector.broadcast %scan3A_65 : i32 to vector<40x1xi32>
      %eq3A_78 = arith.cmpi eq, %iota3A_19, %eq3A_77 : vector<40x1xi32>
      %broadcast_in_dim3A_79 = vector.shape_cast %broadcast_in_dim3A_76 : vector<1x1xi32> to vector<1x1xi32>
      %broadcast_in_dim3A_80 = vector.broadcast %broadcast_in_dim3A_79 : vector<1x1xi32> to vector<40x1xi32>
      %select_n3A_81 = arith.select %eq3A_78, %broadcast_in_dim3A_80, %scan3A_67 : vector<40x1xi1>, vector<40x1xi32>
      %eq3A_82 = vector.broadcast %broadcast_in_dim3A_76 : vector<1x1xi32> to vector<1x2048xi32>
      %eq3A_83 = arith.cmpi eq, %iota3A, %eq3A_82 : vector<1x2048xi32>
      %jit3A_84 = arith.constant -1.000000e+30 : f32
      %broadcast_in_dim3A_85 = vector.broadcast %jit3A_84 : f32 to vector<1x2048xf32>
      %select_n3A_86 = arith.select %eq3A_83, %broadcast_in_dim3A_85, %scan3A_66 : vector<1x2048xi1>, vector<1x2048xf32>
      scf.yield %select_n3A_86, %select_n3A_81 : vector<1x2048xf32>, vector<40x1xi32>
    }
    %scan3A_25 = arith.constant 40 : i32
    %iota3A_26 = tpu.iota {dimensions = array<i32: 1>} : vector<40x2048xi32>
    %eq3A = vector.broadcast %scan3A_24#1 : vector<40x1xi32> to vector<40x2048xi32>
    %eq3A_27 = arith.cmpi eq, %eq3A, %iota3A_26 : vector<40x2048xi32>
    %convert_element_type3A = arith.extui %eq3A_27 : vector<40x2048xi1> to vector<40x2048xi32>
    %convert_element_type3A_28 = arith.sitofp %convert_element_type3A : vector<40x2048xi32> to vector<40x2048xf32>
    %dot_general3A = arith.constant dense<0.000000e+00> : vector<40x64xf32>
    %dot_general3A_29 = tpu.matmul %convert_element_type3A_28, %get3A_8, %dot_general3A {dimension_numbers = #tpu.dot_dimension_numbers<[1], [0], [0], [1], [0, 0, 1, 1], [], []>, transpose_lhs_hint = false} : vector<40x2048xf32>, vector<2048x64xf32>, vector<40x64xf32> -> vector<40x64xf32>
    %dot_general3A_30 = arith.constant dense<0.000000e+00> : vector<40x2048xf32>
    %dot_general3A_31 = tpu.matmul %dot_general3A_29, %get3A_13, %dot_general3A_30 {dimension_numbers = #tpu.dot_dimension_numbers<[1], [1], [0], [0], [0, 0, 1, 0], [], []>, transpose_lhs_hint = false} : vector<40x64xf32>, vector<2048x64xf32>, vector<40x2048xf32> -> vector<40x2048xf32>
    %mul3A = arith.constant 1.250000e-01 : f32
    %mul3A_32 = vector.broadcast %mul3A : f32 to vector<40x2048xf32>
    %mul3A_33 = arith.mulf %dot_general3A_31, %mul3A_32 : vector<40x2048xf32>
    %reduce_max3A = arith.constant dense<0xFF800000> : vector<40xf32>
    %reduce_max3A_34 = vector.multi_reduction <maximumf>, %mul3A_33, %reduce_max3A [1] : vector<40x2048xf32> to vector<40xf32>
    %broadcast_in_dim3A_35 = vector.shape_cast %reduce_max3A_34 : vector<40xf32> to vector<40x1xf32>
    %sub3A = vector.broadcast %broadcast_in_dim3A_35 : vector<40x1xf32> to vector<40x2048xf32>
    %sub3A_36 = arith.subf %mul3A_33, %sub3A : vector<40x2048xf32>
    %exp3A = math.exp %sub3A_36 : vector<40x2048xf32>
    %reduce_sum3A = arith.constant dense<0.000000e+00> : vector<40xf32>
    %reduce_sum3A_37 = vector.multi_reduction <add>, %exp3A, %reduce_sum3A [1] : vector<40x2048xf32> to vector<40xf32>
    %broadcast_in_dim3A_38 = vector.shape_cast %reduce_sum3A_37 : vector<40xf32> to vector<40x1xf32>
    %div3A = vector.broadcast %broadcast_in_dim3A_38 : vector<40x1xf32> to vector<40x2048xf32>
    %div3A_39 = arith.divf %exp3A, %div3A : vector<40x2048xf32>
    %dot_general3A_40 = arith.constant dense<0.000000e+00> : vector<40x64xf32>
    %dot_general3A_41 = tpu.matmul %div3A_39, %get3A_18, %dot_general3A_40 {dimension_numbers = #tpu.dot_dimension_numbers<[1], [0], [0], [1], [0, 0, 1, 1], [], []>, transpose_lhs_hint = false} : vector<40x2048xf32>, vector<2048x64xf32>, vector<40x64xf32> -> vector<40x64xf32>
    %reduce_sum3A_42 = arith.constant dense<0.000000e+00> : vector<64xf32>
    %reduce_sum3A_43 = vector.multi_reduction <add>, %get3A_18, %reduce_sum3A_42 [0] : vector<2048x64xf32> to vector<64xf32>
    %broadcast_in_dim3A_44 = vector.shape_cast %reduce_sum3A_43 : vector<64xf32> to vector<1x64xf32>
    %mul3A_45 = arith.constant 4.8828125E-4 : f32
    %mul3A_46 = vector.broadcast %mul3A_45 : f32 to vector<1x64xf32>
    %mul3A_47 = arith.mulf %broadcast_in_dim3A_44, %mul3A_46 : vector<1x64xf32>
    %dot_general3A_48 = arith.constant dense<0.000000e+00> : vector<2048x64xf32>
    %dot_general3A_49 = tpu.matmul %convert_element_type3A_28, %dot_general3A_41, %dot_general3A_48 {dimension_numbers = #tpu.dot_dimension_numbers<[0], [0], [1], [1], [0, 1, 1, 1], [], []>, transpose_lhs_hint = false} : vector<40x2048xf32>, vector<40x64xf32>, vector<2048x64xf32> -> vector<2048x64xf32>
    %broadcast_in_dim3A_50 = arith.constant 1.000000e+00 : f32
    %broadcast_in_dim3A_51 = vector.broadcast %broadcast_in_dim3A_50 : f32 to vector<40x1xf32>
    %dot_general3A_52 = arith.constant dense<0.000000e+00> : vector<2048x1xf32>
    %dot_general3A_53 = tpu.matmul %convert_element_type3A_28, %broadcast_in_dim3A_51, %dot_general3A_52 {dimension_numbers = #tpu.dot_dimension_numbers<[0], [0], [1], [1], [0, 1, 1, 1], [], []>, transpose_lhs_hint = false} : vector<40x2048xf32>, vector<40x1xf32>, vector<2048x1xf32> -> vector<2048x1xf32>
    %gt3A = arith.constant 5.000000e-01 : f32
    %gt3A_54 = vector.broadcast %gt3A : f32 to vector<2048x1xf32>
    %gt3A_55 = arith.cmpf ogt, %dot_general3A_53, %gt3A_54 : vector<2048x1xf32>
    %broadcast_in_dim3A_56 = vector.shape_cast %gt3A_55 : vector<2048x1xi1> to vector<2048x1xi1>
    %broadcast_in_dim3A_57 = vector.broadcast %broadcast_in_dim3A_56 : vector<2048x1xi1> to vector<2048x64xi1>
    %broadcast_in_dim3A_58 = vector.shape_cast %mul3A_47 : vector<1x64xf32> to vector<1x64xf32>
    %broadcast_in_dim3A_59 = vector.broadcast %broadcast_in_dim3A_58 : vector<1x64xf32> to vector<2048x64xf32>
    %select_n3A = arith.select %broadcast_in_dim3A_57, %dot_general3A_49, %broadcast_in_dim3A_59 : vector<2048x64xi1>, vector<2048x64xf32>
    %swap3A = arith.constant 0 : index
    %swap3A_60 = arith.constant 0 : index
    %swap3A_61 = arith.constant 0 : index
    %swap3A_62 = vector.load %arg5[%swap3A, %swap3A_60, %swap3A_61] : memref<1x2048x64xf32, #tpu.memory_space<vmem>>, vector<1x2048x64xf32>
    %swap3A_63 = vector.shape_cast %swap3A_62 : vector<1x2048x64xf32> to vector<2048x64xf32>
    %swap3A_64 = vector.shape_cast %select_n3A : vector<2048x64xf32> to vector<1x2048x64xf32>
    tpu.vector_store %arg5[%swap3A, %swap3A_60, %swap3A_61], %swap3A_64 {strides = array<i32>} : memref<1x2048x64xf32, #tpu.memory_space<vmem>>, vector<1x2048x64xf32>,
    return
  }
  func.func @transform_0(%arg0: i32) -> (i32, i32, i32) {
    %c0_i32 = arith.constant 0 : i32
    %c0_i32_0 = arith.constant 0 : i32
    %c0_i32_1 = arith.constant 0 : i32
    return %arg0, %c0_i32, %c0_i32_0 : i32, i32, i32
  }
  func.func @transform_1(%arg0: i32) -> (i32, i32, i32) {
    %c0_i32 = arith.constant 0 : i32
    %c0_i32_0 = arith.constant 0 : i32
    %c0_i32_1 = arith.constant 0 : i32
    return %arg0, %c0_i32, %c0_i32_0 : i32, i32, i32
  }
  func.func @transform_2(%arg0: i32) -> (i32, i32, i32) {
    %c0_i32 = arith.constant 0 : i32
    %c0_i32_0 = arith.constant 0 : i32
    %c0_i32_1 = arith.constant 0 : i32
    return %arg0, %c0_i32, %c0_i32_0 : i32, i32, i32
  }
  func.func @transform_3(%arg0: i32) -> (i32, i32, i32) {
    %c0_i32 = arith.constant 0 : i32
    %c0_i32_0 = arith.constant 0 : i32
    %c0_i32_1 = arith.constant 0 : i32
    return %arg0, %c0_i32, %c0_i32_0 : i32, i32, i32
  }
  func.func @transform_4(%arg0: i32) -> (i32, i32, i32) {
    %c0_i32 = arith.constant 0 : i32
    %c0_i32_0 = arith.constant 0 : i32
    %c0_i32_1 = arith.constant 0 : i32
    return %arg0, %c0_i32, %c0_i32_0 : i32, i32, i32
  }
}

</mosaic_0001>

<sc_bundles>
// kernel: scatter_offload_async_start
scs
__scs_entry_jumppad:
0x0: {  	(pc) =	sbr.rel $0x88, $3  }
0x1: {  	(tag) =	ssettag $0x0;
	lr =	simm.s32 $0x1  }
0x2: {  	[smem:$0x3F9E] =	sst lr;
	_ =	strace $0xD0000000  }
0x3: {  	_ = 	snop  }
0x4: {  	_ = 	snop  }
0x5: {  	_ = 	snop  }
0x6: {  	_ = 	snop  }
0x7: {  	_ = 	snop  }
__scs_overlays_trampoline_lowered:
0x8: {  	[smem:$0x3FAD] =	sst s0  }
0x9: {  	[smem:$0x3FAE] =	sst s1  }
0xa: {  	[smem:$0x3FAF] =	sst s2  }
0xb: {  	[smem:$0x3FB0] =	sst s3  }
0xc: {  	[smem:$0x3FB1] =	sst s4  }
0xd: {  	[smem:$0x3FB2] =	sst s5  }
0xe: {  	[smem:$0x3FB3] =	sst s6  }
0xf: {  	[smem:$0x3FB4] =	sst s7  }
0x10: {  	[smem:$0x3FB5] =	sst s8  }
0x11: {  	[smem:$0x3FB6] =	sst s9;
	s0 =	simm.s32 @!p0 $0x0  }
0x12: {  	s1 =	sld [smem:$0x3F9C];
	s0 =	simm.s32 @p0 $0x1  }
0x13: {  	[smem:$0x3FB7] =	sst s0;
	s0 =	simm.s32 @!p1 $0x0  }
0x14: {  	s2 =	sld [smem:$0x3F9B];
	s0 =	simm.s32 @p1 $0x1  }
0x15: {  	[smem:$0x3FB8] =	sst s0;
	s0 =	simm.s32 @!p2 $0x0  }
0x16: {  	s3 =	sld [smem:$0x3FDB];
	s0 =	simm.s32 @p2 $0x1  }
0x17: {  	s4 =	simm.s32 $0x1BF5;
	[smem:$0x3FBA] =	sst s0  }
0x18: {  	s0 =	sld [smem:$0x3F9D];
	_ =	swait.ge [sflag:s4], $0x0  }
0x19: {  	s7 =	sld [smem:$0x3F9E]  }
0x1a: {  	s8 =	sadd.s32 $0xFFFFE003, lr  }
0x1b: {  	s9 =	sadd.s32 $0xFFFFFEF7, lr;
	s5 =	simm.s32 $0xFFFFFFFF;
	p2 =	slt.u32 s8, $0xFFFFF086  }
0x1c: {  	p1 =	slt.u32 s9, $0xF7A;
	s5 =	simm.s32 @!p2 $0x0  }
0x1d: {  	s5 =	simm.s32 @p1 $0x1;
	p0 =	seq.s32 s7, s2  }
0x1e: {  	s7 =	smul.u32 @!p0 $0xF7A, s2;
	p2 =	seq.s32 @!p0 s5, $0x0  }
0x1f: {  	s9 =	smul.u32 $0xF7A, s1;
	s8 =	simm.s32 @!p0 $0x1BF5;
	p2 =	por !p2, p0  }
0x20: {  	[sflag:s8] =	ssyncset.s32 @!p0 $0xFFFFF086;
	s6 =	sadd.s32 @!p0 s3, s7;
	s7 =	simm.s32 @!p0 $0x108  }
0x21: {  	s3 =	sadd.s32 s3, s9;
	s6 =	sadd.s32 @!p0 $0x88, s6;
	s7 =	simm.s32 @p2 $0x1082  }
0x22: {  	[simem:s7], [sflag:s8] =	dma.local @!p0 [hbm:s6], $0xF7A  }
0x23: {  	s9 =	sor.u32 $0xD0000000, s2;
	s6 =	simm.s32 $0x108;
	_ =	swait.ge @!p0 [sflag:s8], $0x0  }
0x24: {  	s3 =	sadd.s32 $0x88, s3;
	s6 =	simm.s32 @!p1 $0x1082;
	[sflag:s4] =	ssyncset.s32 $0xFFFFF086  }
0x25: {  	[simem:s6], [sflag:s4] =	dma.local [hbm:s3], $0xF7A  }
0x26: {  	[smem:$0x3F9E] =	sst s1;
	(tag) =	ssettag s2;
	_ =	strace s9  }
0x27: {  	s1 =	sld [smem:$0x3FAE]  }
0x28: {  	s2 =	sld [smem:$0x3FAF]  }
0x29: {  	s4 =	sld [smem:$0x3FB1]  }
0x2a: {  	p0 =	seq.s32 s5, $0x0;
	s5 =	sld [smem:$0x3FB2]  }
0x2b: {  	s6 =	sld [smem:$0x3FB3]  }
0x2c: {  	s7 =	sld [smem:$0x3FB4]  }
0x2d: {  	s3 =	simm.s32 $0x108;
	s8 =	sld [smem:$0x3FB5]  }
0x2e: {  	s3 =	simm.s32 @!p0 $0x1082;
	s9 =	sld [smem:$0x3FB6]  }
0x2f: {  	lr =	sadd.s32 s0, s3;
	s0 =	sld [smem:$0x3FAD]  }
0x30: {  	s3 =	sld [smem:$0x3FB0]  }
0x31: {  	[smem:$0x3FB9] =	sst s10  }
0x32: {  	s10 =	sld [smem:$0x3FB7];
	_ =	sdelay $0x3  }
0x33: {  	p0 =	seq.s32 s10, $0x1;
	s10 =	sld [smem:$0x3FB9];
	_ =	sdelay $0x3  }
0x34: {  	[smem:$0x3FB9] =	sst s10  }
0x35: {  	s10 =	sld [smem:$0x3FB8];
	_ =	sdelay $0x3  }
0x36: {  	p1 =	seq.s32 s10, $0x1;
	s10 =	sld [smem:$0x3FB9];
	_ =	sdelay $0x3  }
0x37: {  	[smem:$0x3FB9] =	sst s10  }
0x38: {  	s10 =	sld [smem:$0x3FBA]  }
0x39: {  	_ = 	snop;
	(pc) =	sbr.ind lr, $3  }
0x3a: {  	_ = 	snop  }
0x3b: {  	_ = 	snop  }
0x3c: {  	p2 =	seq.s32 s10, $0x1;
	s10 =	sld [smem:$0x3FB9]  }
0x3d: {  	_ =	shalt  }
0x3e: {  	_ =	shalt  }
0x3f: {  	_ =	shalt  }
0x40: {  	_ =	shalt  }
0x41: {  	_ =	shalt  }
0x42: {  	_ =	shalt  }
0x43: {  	_ =	shalt  }
0x44: {  	_ =	shalt  }
0x45: {  	_ =	shalt  }
0x46: {  	_ =	shalt  }
0x47: {  	_ =	shalt  }
0x48: {  	_ =	shalt  }
0x49: {  	_ =	shalt  }
0x4a: {  	_ =	shalt  }
0x4b: {  	_ =	shalt  }
0x4c: {  	_ =	shalt  }
0x4d: {  	_ =	shalt  }
0x4e: {  	_ =	shalt  }
0x4f: {  	_ =	shalt  }
0x50: {  	_ =	shalt  }
0x51: {  	_ =	shalt  }
0x52: {  	_ =	shalt  }
0x53: {  	_ =	shalt  }
0x54: {  	_ =	shalt  }
0x55: {  	_ =	shalt  }
0x56: {  	_ =	shalt  }
0x57: {  	_ =	shalt  }
0x58: {  	_ =	shalt  }
0x59: {  	_ =	shalt  }
0x5a: {  	_ =	shalt  }
0x5b: {  	_ =	shalt  }
0x5c: {  	_ =	shalt  }
0x5d: {  	_ =	shalt  }
0x5e: {  	_ =	shalt  }
0x5f: {  	_ =	shalt  }
0x60: {  	_ =	shalt  }
0x61: {  	_ =	shalt  }
0x62: {  	_ =	shalt  }
0x63: {  	_ =	shalt  }
0x64: {  	_ =	shalt  }
0x65: {  	_ =	shalt  }
0x66: {  	_ =	shalt  }
0x67: {  	_ =	shalt  }
0x68: {  	_ =	shalt  }
0x69: {  	_ =	shalt  }
0x6a: {  	_ =	shalt  }
0x6b: {  	_ =	shalt  }
0x6c: {  	_ =	shalt  }
0x6d: {  	_ =	shalt  }
0x6e: {  	_ =	shalt  }
0x6f: {  	_ =	shalt  }
0x70: {  	_ =	shalt  }
0x71: {  	_ =	shalt  }
0x72: {  	_ =	shalt  }
0x73: {  	_ =	shalt  }
0x74: {  	_ =	shalt  }
0x75: {  	_ =	shalt  }
0x76: {  	_ =	shalt  }
0x77: {  	_ =	shalt  }
0x78: {  	_ =	shalt  }
0x79: {  	_ =	shalt  }
0x7a: {  	_ =	shalt  }
0x7b: {  	_ =	shalt  }
0x7c: {  	_ =	shalt  }
0x7d: {  	_ =	shalt  }
0x7e: {  	_ =	shalt  }
0x7f: {  	_ =	shalt  }
0x80: {  	_ =	shalt  }
0x81: {  	_ =	shalt  }
0x82: {  	_ =	shalt  }
0x83: {  	_ =	shalt  }
0x84: {  	_ =	shalt  }
0x85: {  	_ =	shalt  }
0x86: {  	_ =	shalt  }
0x87: {  	_ =	shalt  }
.Lfunc_end0:
.L_simem_size_0:
called_computation_lowered:
.L_overlay_start_0:
0x88: {  	s0 =	sld [smem:$0x3FD9]  }
0x89: {  	s1 =	sld [smem:$0x3FFE];
	_ =	sdelay $0x3  }
0x8a: {  	s0 =	sadd.s32 s1, s0  }
0x8b: {  	[smem:$0x3FC5] =	sst s0  }
0x8c: {  	_ = 	snop  }
0x8d: {  	s0 =	sld [smem:$0x3FD0];
	(tm) =	ssettm $0x1  }
0x8e: {  	s16 =	sld [smem:$0x3FFB];
	_ =	sdelay $0x3  }
0x8f: {  	_ =	strace s16  }
0x90: {  	s1 =	sld [smem:$0x3FFC];
	_ =	sdelay $0x3  }
0x91: {  	_ =	strace s1  }
0x92: {  	s1 =	sld [smem:$0x3FFD];
	_ =	sdelay $0x3  }
0x93: {  	_ =	strace s1  }
0x94: {  	_ =	strace $0x8FFFFFFF  }
0x95: {  	s17 =	sld [smem:$0x3FDB];
	_ =	sdelay $0x1  }
0x96: {  	s2 =	simm.s32 $_scs_section_size  }
0x97: {  	s3 =	simm.s32 $_size__tile_overlayer_lowered;
	s4 =	simm.s32 $_tile_overlayer_lowered  }
0x98: {  	s20 =	simm.s32 $0x1BFF;
	s19 =	sshll.u32 s4, $0x1;
	s1 =	sadd.s32 s2, s17  }
0x99: {  	s5 =	simm.s32 $0x0;
	s18 =	sshll.u32 s3, $0x1;
	s3 =	sadd.s32 s19, s1  }
0x9a: {  	[timem:s5], [sflag:s20] =	dma.local [hbm:s3], s18  }
0x9b: {  	_ =	swait.ge [sflag:s20], s18  }
0x9c: {  	s2 =	ssub.s32 $0x0, s18;
	[sflag:s20] =	ssyncset.done $0x0  }
0x9d: {  	[sflag:s20] =	ssyncadd.s32 s2;
	_ =	sdelay $0x1  }
0x9e: {  	s21 =	simm.s32 $0x1B8B  }
0x9f: {  	_ =	swait.ge [sflag:s21], $0x1  }
0xa0: {  	[sflag:s21] =	ssyncset.done $0x0  }
0xa1: {  	s23 =	simm.s32 $0x1B8E;
	s22 =	sld [smem:$0x3FFE];
	[sflag:s21] =	ssyncadd.s32 $0xFFFFFFFF  }
0xa2: {  	s24 =	simm.s32 $execute0_lowered;
	[smem:$0x3FD2] =	sst s23  }
0xa3: {  	s3 =	sshll.u32 s24, $0x1;
	_ =	strace $0x80000046;
	[dreg:$0x1] =	wrdreg $0xFFFFFFFF  }
0xa4: {  	s25 =	simm.s32 $_size_execute0_lowered;
	s1 =	sadd.s32 s1, s3;
	[dreg:$0x0] =	wrdreg $0x0  }
0xa5: {  	s3 =	sshll.u32 s25, $0x1;
	[dreg:$0x2] =	wrdreg s1  }
0xa6: {  	[dreg:$0x3] =	wrdreg s3  }
0xa7: {  	[dreg:$0x4] =	wrdreg $0xC0  }
0xa8: {  	_ =	task [dreg:s5], $0x5FFFF  }
0xa9: {  	[dreg:$0x1] =	wrdreg $0xFFFFFFFF  }
0xaa: {  	[dreg:$0x0] =	wrdreg $0x60  }
0xab: {  	[dreg:$0x2] =	wrdreg s22  }
0xac: {  	[dreg:$0x3] =	wrdreg s0  }
0xad: {  	[dreg:$0x4] =	wrdreg $0x9  }
0xae: {  	_ =	task.clear_ibuf [dreg:s5], $0x5FFFF;
	_ =	strace $0x90000046  }
0xaf: {  	s26 =	simm.s32 $0x9;
	_ =	strace $0x80000048  }
0xb0: {  	_ =	swait.ge [sflag:s26], $0x1  }
0xb1: {  	[sflag:s26] =	ssyncadd.s32 $0xFFFFFFFF  }
0xb2: {  	_ =	strace $0x90000048  }
0xb3: {  	_ =	sfence  }
0xb4: {  	s28 =	sld [smem:$0x0];
	_ =	sdelay $0x1  }
0xb5: {  	s29 =	srdreg.scid  }
0xb6: {  	s30 =	sshll.u32 s29, $0xD;
	s31 =	sshrl.u32 s29, $0x2  }
0xb7: {  	s2 =	sand.u32 $0x4000, s30;
	s1 =	sand.u32 $0x1, s29;
	s0 =	sadd.s32 s31, s28  }
0xb8: {  	s1 =	sor.u32 s2, s1;
	s0 =	sshll.u32 s0, $0x11  }
0xb9: {  	s0 =	sor.u32 s0, s1  }
0xba: {  	s0 =	sadd.s32 $0x8F2B, s0  }
0xbb: {  	[sflag:s0] =	ssyncadd.remote.s32 $0x1  }
0xbc: {  	_ =	sfence.sel $0xFFFF  }
0xbd: {  	[dreg:$0x0] =	wrdreg $0xFFFFFFFF;
	(pc) =	sbr.abs _section_cstart, $3  }
0xbe: {  	[dreg:$0x1] =	wrdreg $0xFFFFFFFF  }
0xbf: {  	_ =	task.clear_ibuf [dreg:s5], $0x2FFFF;
	_ =	strace $0x9FFFFFFF  }
0xc0: {  	(tm) =	ssettm $0x7FFFFFFF  }
0xc1: {  	_ =	shalt  }
tec
execute0_lowered:
.L_overlay_start_1:
0x0: {  	(tag) =	ssettag $0x1  }
0x1: {  	s0 =	rddreg [dreg:$0x0];
	_ =	strace $0x80000047;
	s4 =	simm.s32 $0x1  }
0x2: {  	v1 =	vimm.s32 $0xFFFFFFFF;
	[sflag:s4] =	ssyncpa.u1 $0x0  }
0x3: {  	[tilespmem:$0x10] =	vst v1  }
0x4: {  	v0 =	vimm.f32 $0.0e+00;
	[tilespmem:$0x20] =	vst v1  }
0x5: {  	[tilespmem:$0x30] =	vst v0  }
0x6: {  	s2 =	simm.s32 $0x2;
	s26 =	stileid.u32;
	s5 =	simm.s32 $0x7;
	[tilespmem:$0x40] =	vst v0  }
0x7: {  	s7 =	simm.s32 $0x8;
	s31 =	simm.s32 $0x9;
	s14 =	simm.s32 $0x0;
	[tilespmem:$0x50] =	vst v0  }
0x8: {  	s15 =	simm.s32 $0x100;
	s17 =	simm.s32 $0x14FF;
	s18 =	simm.s32 $0x10;
	[tilespmem:$0x60] =	vst v1  }
0x9: {  	s19 =	simm.s32 $0xB500;
	s20 =	simm.s32 $0xF;
	s21 =	simm.s32 $0x50;
	[tilespmem:$0x70] =	vst v1  }
0xa: {  	s22 =	simm.s32 $0x50FF;
	s23 =	simm.s32 $0x20;
	s24 =	simm.s32 $0x30;
	[tilespmem:$0x80] =	vst v1  }
0xb: {  	s25 =	simm.s32 $0xA0FF;
	s30 =	simm.s32 $0x0;
	s6 =	smul.u32 $0x1400, s26;
	v1 =	vimm.s32 $0x0;
	[tilespmem:$0xB0] =	vst v0  }
.Ltmp0:
0xc: {  	s29 =	simm.s32 $0x0;
	s1 =	sadd.s32 $0x102800, s0;
	[tilespmem:$0x90] =	vst v1;
	(pc) =	sbr.rel .LBB2_1-.Ltmp0, $4  }
0xd: {  	s8 =	sadd.s32 $0x100000, s0;
	s10 =	sshll.u32 s26, $0x1;
	[tilespmem:$0xA0] =	vst v1;
	[sflag:s2] =	ssyncpa.u1 $0x0  }
0xe: {  	s12 =	sshllo.u32 s26, $0x1;
	s26 =	simm.s32 $0x80;
	[sflag:s5] =	ssyncpa.u1 $0x0  }
0xf: {  	vm0 =	vmmov $0xffff;
	v2 =	vlaneseq.u32;
	s11 =	sor.u32 $0x81, s10;
	s13 =	sor.u32 $0x80, s10;
	[sflag:s7] =	ssyncpa.u1 $0x0  }
0x10: {  	vm1 =	vmxor vm1, vm1;
	vm2 =	vmmov $0x1;
	vm3 =	vcmask $0x3F3C;
	s9 =	sadd.s32 $0x1400, s6;
	s28 =	smov.u32 s6;
	[sflag:s31] =	ssyncpa.u1 $0x0  }
.LBB2_3:
0x11: {  	s0 =	sshrl.u32 s28, $0x3;
	s2 =	rddreg [dreg:$0x1]  }
0x12: {  	s31 =	sand.u32 $0x7, s28;
	s0 =	sadd.s32 s2, s0  }
0x13: {  	[tilespmem:s15], [sflag:$0x7] =	stream.linear.gather [hbm4b:s0+s31], $0x1400, $0x38;
	[tilespmem:$0xB520] =	vst v63  }
.LBB2_4:
0x14: {  	s0 =	sadd.s32 $0x1400, s28  }
0x15: {  	s2 =	smov.u32 s6;
	s29 =	sadd.s32 $0x1, s29;
	p0 =	slt.s32 s0, s9  }
0x16: {  	s2 =	smov.u32 @p0 s0;
	p0 =	sne.s32 s29, $0x4  }
.Ltmp1:
0x17: {  	_ = 	snop;
	(pc) =	sbr.rel @!p0 .LBB2_13-.Ltmp1, $2  }
0x18: {  	_ =	sdelay $0x2  }
0x19: {  	s30 =	smov.u32 s28;
	s28 =	smov.u32 s2  }
.LBB2_1:
0x1a: {  	p0 =	sgt.s32 s29, $0x1  }
.Ltmp2:
0x1b: {  	_ = 	snop;
	(pc) =	sbr.rel @p0 .LBB2_11-.Ltmp2, $1  }
0x1c: {  	_ =	sdelay $0x3  }
0x1d: {  	p0 =	seq.s32 s29, $0x0  }
.Ltmp3:
0x1e: {  	_ = 	snop;
	(pc) =	sbr.rel @p0 .LBB2_3-.Ltmp3, $1  }
0x1f: {  	_ =	sdelay $0x3  }
0x20: {  	_ =	swait.ge [sflag:s5], $0x1400  }
0x21: {  	[sflag:s5] =	ssyncset.done $0x0  }
0x22: {  	[sflag:s5] =	ssyncadd.s32 $0xFFFFEC00;
	(ifvalue) =	ssetifvalue $0xFFFFFFFF;
	v3 =	vld.msk [tilespmem:s15+$0x0 ss:$0x1], $0xffff;
	_ =	sdelay $0x4  }
0x23: {  	v4 =	vperm.xlane v3, v1  }
0x24: {  	vm4 =	vlt.u32 v3, $0x400000  }
0x25: {  	v3 =	vnsel vm4, $0xFFFFFFFE, v3;
	vm4 =	vlt.u32 v4, $0x400000  }
0x26: {  	[tilespmem:$0x70] =	vst v3;
	v3 =	vnsel vm4, $0xFFFFFFFE, v4  }
0x27: {  	s16 =	simm.s32 $0x14F0;
	[tilespmem:$0x80] =	vst v3  }
0x28: {  	v3 =	vld.msk [tilespmem:s16+$0x0 ss:$0x1], $0xffff;
	_ =	sdelay $0x4  }
0x29: {  	(xrf1) =	vunique.msk.u32 $0xffff, v3;
	_ =	sdelay $0xd  }
0x2a: {  	v4 =	vimm.s32 $0xFFFFFFFF;
	v5, _, _ =	vpop (xrf1)  }
0x2b: {  	vm5 =	vne.s32 v3, v4;
	vm4 =	veq.s32 v5, v2  }
0x2c: {  	vm6 =	vlt.u32 v3, $0x400000;
	vm4 =	vmand vm5, vm4  }
0x2d: {  	vm4 =	vmand vm6, vm4  }
0x2e: {  	v4 =	vnsel vm4, $0xFFFFFFFF, v3;
	_ =	sdelay $0x3  }
0x2f: {  	s0 =	simm.s32 $0x50F0;
	(ifvalue) =	ssetifvalue $0xFFFFFFFF  }
0x30: {  	v3 =	vperm.xlane v3, v1;
	[tilespmem:s0], [sflag:$0x8] =	stream.indirect_vreg.gather [hbm4b:s1+s14], $0x1, v4, vm0, $0x4038;
	v4 =	vnsel vm6, $0xFFFFFFFE, v4;
	[tilespmem:$0xB520] =	vst v63  }
0x31: {  	s2 =	simm.s32 $0x0;
	s3 =	simm.s32 $0x14E0;
	[tilespmem:s16+$0x0] =	vst v4  }
.LBB2_6:
0x32: {  	v4 =	vld.msk [tilespmem:s3+$0x0 ss:$0x1], $0xffff;
	s2 =	sadd.s32 $0x10, s2;
	v5 =	vmov v3;
	s16 =	smov.u32 s3  }
0x33: {  	p0 =	slt.u32 s2, $0x13F0;
	_ =	sdelay $0x4  }
0x34: {  	v3 =	vperm.xlane v4, v1;
	(xrf1) =	vunique.msk.u32 $0xffff, v4;
	_ =	sdelay $0xd  }
0x35: {  	v6, _, _ =	vpop (xrf1)  }
0x36: {  	vm5 =	vne.s32 v4, v5;
	vm4 =	veq.s32 v6, v2  }
0x37: {  	vm6 =	vlt.u32 v4, $0x400000;
	vm4 =	vmand vm5, vm4  }
0x38: {  	vm4 =	vmand vm6, vm4  }
0x39: {  	v4 =	vnsel vm4, $0xFFFFFFFF, v4  }
.Ltmp4:
0x3a: {  	v5 =	vnsel vm6, $0xFFFFFFFE, v4;
	(pc) =	sbr.rel @p0 .LBB2_6-.Ltmp4, $3  }
0x3b: {  	_ =	sdelay $0x1  }
0x3c: {  	s3 =	sadd.s32 $0xFFFFFFF0, s3;
	s0 =	sadd.s32 $0xFFFFFFF0, s0;
	(ifvalue) =	ssetifvalue $0xFFFFFFFF  }
0x3d: {  	[tilespmem:s0], [sflag:$0x8] =	stream.indirect_vreg.gather [hbm4b:s1+s14], $0x1, v4, vm0, $0x4038;
	[tilespmem:s16+$0x0] =	vst v5  }
.Ltmp5:
0x3e: {  	(pc) =	sbr.rel .LBB2_4-.Ltmp5, $4  }
0x3f: {  	_ = 	snop  }
0x40: {  	s0 =	sshrl.u32 s30, $0x3  }
0x41: {  	s2 =	simm.s32 $0x6500;
	s0 =	sadd.s32 s8, s0  }
0x42: {  	[tilespmem:s2], [sflag:$0x8] =	stream.linear.gather [hbm:s0], $0x1400, $0x38;
	[tilespmem:$0xB520] =	vst v63  }
.LBB2_11:
0x43: {  	p0 =	seq.s32 s29, $0x2  }
.Ltmp6:
0x44: {  	_ = 	snop;
	(pc) =	sbr.rel @!p0 .LBB2_12-.Ltmp6, $1  }
0x45: {  	_ =	sdelay $0x3  }
0x46: {  	_ =	swait.ge [sflag:s7], $0x2800  }
0x47: {  	[sflag:s7] =	ssyncset.done $0x0  }
0x48: {  	[sflag:s7] =	ssyncadd.s32 $0xFFFFD800  }
0x49: {  	[spmem:s11] =	stream.linear.scatter [tilespmem:s17], [sflag:$0x1], $0x1, $0x38;
	[tilespmem:$0xB520] =	vst v63  }
0x4a: {  	_ =	swait.ge [sflag:s4], $0x1  }
0x4b: {  	[sflag:s4] =	ssyncset.done $0x0  }
0x4c: {  	[sflag:s4] =	ssyncadd.s32 $0xFFFFFFFF  }
0x4d: {  	v4 =	vld [tilespmem:$0x10]  }
0x4e: {  	v5 =	vld [tilespmem:$0x70]  }
0x4f: {  	v3 =	vld [tilespmem:$0x80];
	_ =	sdelay $0x2  }
0x50: {  	(v2sf) =	vpush v4, $0x0  }
0x51: {  	(v2sf) =	vpush v5, $0x0  }
0x52: {  	(v2sf) =	vpush v3, $0x0;
	_ =	sdelay $0xc  }
0x53: {  	s0 =	spop (v2sf)  }
0x54: {  	s2 =	spop (v2sf)  }
0x55: {  	s30 =	spop (v2sf)  }
0x56: {  	p0 =	seq.s32 s0, s2;
	p1 =	seq.s32 s30, s0  }
0x57: {  	p1 =	por p0, p1  }
0x58: {  	v4 =	vpsel p1, $0xFFFFFFFF, v4  }
0x59: {  	[tilespmem:s18+$0x0] =	vst.msk $0x1, v4  }
0x5a: {  	v4 =	vld [tilespmem:$0x30]  }
0x5b: {  	v5 =	vld [tilespmem:$0x6500]  }
0x5c: {  	v6 =	vld [tilespmem:$0x40];
	_ =	sdelay $0x3  }
0x5d: {  	vm4 =	vmmov vm1;
	v5 =	vadd.f32 v5, v4  }
0x5e: {  	vm5 =	vmmov vm2;
	s31 =	simm.s32 $0x6500;
	vm4 =	vmmov @p0 vm2;
	v4 =	vadd.f32 v6, v4  }
0x5f: {  	vm5 =	vmmov @p1 vm1;
	[tilespmem:s31+$0x0] =	vst.msk vm4, v5  }
0x60: {  	[tilespmem:s19+$0x0] =	vst.msk vm5, v4  }
0x61: {  	v4 =	vld [tilespmem:$0x50F0];
	_ =	sdelay $0x3  }
0x62: {  	v5 =	vimm.f32 $0.0e+00  }
0x63: {  	v4 =	vshift.insert v4, v5, s20;
	_ =	sdelay $0x1  }
0x64: {  	[tilespmem:s21+$0x0] =	vst.msk $0x1, v4  }
0x65: {  	[tilespmem:s22+$0x0] =	vst.msk $0x1, v5  }
0x66: {  	v4 =	vld [tilespmem:$0x14F0];
	_ =	sdelay $0x4  }
0x67: {  	v4 =	vshift.insert v4, v1, s20;
	_ =	sdelay $0x1  }
0x68: {  	[tilespmem:s23+$0x0] =	vst.msk $0x1, v4  }
0x69: {  	s16 =	simm.s32 $0x100;
	v6 =	vld [tilespmem:s31+$0x0]  }
0x6a: {  	v7 =	vld [tilespmem:s16+$0x0];
	_ =	sdelay $0x3  }
0x6b: {  	v5 =	vadd.f32 v6, v5  }
0x6c: {  	vm4 =	vne.s32 v7, $0xFFFFFFFF  }
0x6d: {  	(xrf2) =	vadd.seg.scan.f32 vm4, v5;
	_ =	sdelay $0x3  }
0x6e: {  	s0 =	simm.s32 $0x3D00;
	v5 =	vperm.xlane v4, v1  }
0x6f: {  	v6 =	vld [tilespmem:s0+$0x0]  }
0x70: {  	vm5 =	veq.s32 v7, v3;
	vm6 =	veq.s32 v7, v5  }
0x71: {  	vm7 =	vgt.u32 v7, $0xFFFFFFFD;
	vm6 =	vmor vm6, vm5  }
0x72: {  	vm6 =	vmor vm6, vm7  }
0x73: {  	v9 =	vld [tilespmem:$0xA0];
	v7 =	vsel vm6, $0xFFFFFFFF, v7  }
0x74: {  	v10 =	vld [tilespmem:$0x90];
	v6 =	vsel vm5, $0x0, v6;
	v8, _, _ =	vpop (xrf2)  }
0x75: {  	v6 =	vadd.f32 v8, v6  }
0x76: {  	s2 =	simm.s32 $0x8D00  }
0x77: {  	vm4 =	vmand vm4, vm3;
	[tilespmem:s2+$0x0] =	vst v6;
	(ifvalue) =	ssetifvalue $0xFFFFFFFF  }
0x78: {  	vm6 =	veq.s32 v9, $0x1;
	[hbm4b:s1+s14] =	stream.indirect_vreg.scatter [tilespmem:s2], [sflag:$0x2], $0x1, v7, vm0, $0x4038;
	v7 =	vsel vm4, $0x0, v8;
	[tilespmem:$0xB520] =	vst v63  }
0x79: {  	s3 =	simm.s32 $0x0;
	s16 =	simm.s32 $0x110;
	vm4 =	vmor vm6, vm5;
	v6 =	vsel vm5, v8, v10;
	v7 =	vshift.insert v7, v0, s20  }
.LBB2_9:
0x7a: {  	v8 =	vld [tilespmem:s16+$0x0];
	s31 =	sadd.s32 $0x10, s31  }
0x7b: {  	s0 =	sadd.s32 $0x10, s0;
	v9 =	vld [tilespmem:s31+$0x0]  }
0x7c: {  	s3 =	sadd.s32 $0x10, s3;
	v10 =	vld [tilespmem:s0+$0x0]  }
0x7d: {  	p0 =	slt.u32 s3, $0x13F0;
	_ =	sdelay $0x2  }
0x7e: {  	v7 =	vadd.f32 v9, v7  }
0x7f: {  	vm5 =	vne.s32 v8, $0xFFFFFFFF  }
0x80: {  	vm6 =	vmand vm5, vm3;
	(xrf2) =	vadd.seg.scan.f32 vm5, v7;
	_ =	sdelay $0x5  }
0x81: {  	vm7 =	veq.s32 v8, v5;
	vm5 =	veq.s32 v8, v3  }
0x82: {  	vm8 =	vgt.u32 v8, $0xFFFFFFFD;
	vm4 =	vmor vm4, vm5;
	vm7 =	vmor vm7, vm5  }
0x83: {  	vm7 =	vmor vm7, vm8  }
0x84: {  	v8 =	vsel vm7, $0xFFFFFFFF, v8  }
.Ltmp7:
0x85: {  	v7 =	vsel vm5, $0x0, v10;
	v9, _, _ =	vpop (xrf2);
	(pc) =	sbr.rel @p0 .LBB2_9-.Ltmp7, $4  }
0x86: {  	v6 =	vsel vm5, v9, v6;
	v10 =	vadd.f32 v9, v7;
	v7 =	vsel vm6, $0x0, v9  }
0x87: {  	s2 =	sadd.s32 $0x10, s2;
	v7 =	vshift.insert v7, v0, s20  }
0x88: {  	s16 =	sadd.s32 $0x10, s16;
	[tilespmem:s2+$0x0] =	vst v10;
	(ifvalue) =	ssetifvalue $0xFFFFFFFF  }
0x89: {  	[hbm4b:s1+s14] =	stream.indirect_vreg.scatter [tilespmem:s2], [sflag:$0x2], $0x1, v8, vm0, $0x4038;
	[tilespmem:$0xB520] =	vst v63  }
0x8a: {  	v3 =	vld [tilespmem:$0xA0F0];
	_ =	sdelay $0x4  }
0x8b: {  	v3 =	vshift.insert v3, v0, s20;
	_ =	sdelay $0x1  }
0x8c: {  	[tilespmem:s24+$0x0] =	vst.msk $0x1, v3  }
0x8d: {  	v3 =	vsel vm4, $0x1, v1;
	[tilespmem:$0x90] =	vst v6  }
0x8e: {  	[tilespmem:$0xA0] =	vst v3  }
0x8f: {  	[spmem:s12] =	stream.linear.scatter [tilespmem:s25], [sflag:$0x1], $0x1, $0x38;
	[tilespmem:$0xB520] =	vst v63  }
0x90: {  	v3 =	vmctz.xlane vm4;
	_ =	swait.ge [sflag:s4], $0x1  }
0x91: {  	(v2sf) =	vpush v4, $0x0  }
0x92: {  	(v2sf) =	vpush v3, $0x0;
	_ =	sdelay $0xd  }
0x93: {  	s0 =	spop (v2sf)  }
0x94: {  	s2 =	spop (v2sf)  }
0x95: {  	[sflag:s4] =	ssyncset.done $0x0;
	p0 =	sne.s32 s30, s0;
	p1 =	slt.s32 s2, $0xF  }
0x96: {  	[sflag:s4] =	ssyncadd.s32 $0xFFFFFFFF;
	v3 =	vimm.s32 @!p0 $0xFFFFFFFF;
	s2 =	simm.s32 @!p1 $0xF  }
0x97: {  	[tilespmem:$0x80] =	vst @!p0 v3;
	s31 =	sadd.s32 $0x90, s2  }
0x98: {  	[spmem:s10] =	stream.linear.scatter [tilespmem:s31], [sflag:$0x1], $0x1, $0x38;
	[tilespmem:$0xB520] =	vst v63  }
0x99: {  	_ =	swait.ge [sflag:s4], $0x1  }
0x9a: {  	[sflag:s4] =	ssyncset.done $0x0  }
0x9b: {  	[sflag:s4] =	ssyncadd.s32 $0xFFFFFFFF  }
0x9c: {  	[spmem:s13] =	stream.linear.scatter [tilespmem:s26], [sflag:$0x1], $0x1, $0x38;
	[tilespmem:$0xB520] =	vst v63  }
0x9d: {  	_ =	swait.ge [sflag:s4], $0x1  }
0x9e: {  	[sflag:s4] =	ssyncset.done $0x0  }
0x9f: {  	[sflag:s4] =	ssyncadd.s32 $0xFFFFFFFF;
	(ifvalue) =	ssetifvalue $0xFFFFFFFF;
	v3 =	vld [tilespmem:$0x10];
	_ =	sdelay $0x3  }
.Ltmp8:
0xa0: {  	_ = 	snop;
	(pc) =	sbr.rel .LBB2_4-.Ltmp8, $3  }
0xa1: {  	_ =	sdelay $0x1  }
0xa2: {  	(ifvalue) =	ssetifvalue $0xFFFFFFFF  }
0xa3: {  	[hbm4b:s1+s14] =	stream.indirect_vreg.scatter [tilespmem:s19], [sflag:$0x9], $0x1, v3, vm0, $0x4038;
	[tilespmem:$0xB520] =	vst v63  }
.LBB2_12:
0xa4: {  	s0 =	simm.s32 $0x2  }
0xa5: {  	_ =	swait.ge [sflag:s0], $0x1400  }
0xa6: {  	[sflag:s0] =	ssyncset.done $0x0  }
0xa7: {  	s31 =	simm.s32 $0x9;
	[sflag:s0] =	ssyncadd.s32 $0xFFFFEC00  }
0xa8: {  	_ =	swait.ge [sflag:s31], $0x10  }
0xa9: {  	[sflag:s31] =	ssyncset.done $0x0  }
0xaa: {  	[sflag:s31] =	ssyncadd.s32 $0xFFFFFFF0  }
.LBB2_13:
0xab: {  	_ =	sfence.sel $0x180000  }
0xac: {  	s0 =	simm.s32 $0x7;
	[bflag:$0x0] =	sbarrier.arrive $0xFFFF  }
0xad: {  	s26 =	simm.s32 $0x8;
	[sflag:s0] =	ssyncpa.u1 $0x1  }
0xae: {  	s28 =	simm.s32 $0x9;
	[sflag:s26] =	ssyncpa.u1 $0x1  }
0xaf: {  	[sflag:s28] =	ssyncpa.u1 $0x1  }
0xb0: {  	_ =	sfence.stream.spmem  }
0xb1: {  	s29 =	simm.s32 $0x3;
	[bflag:$0x0] =	sbarrier.arrive $0xFFFF  }
0xb2: {  	s30 =	simm.s32 $0x4;
	[sflag:s29] =	ssyncpa.u1 $0x1  }
0xb3: {  	s31 =	simm.s32 $0x3C;
	s2 =	stileid.u32;
	[sflag:s30] =	ssyncpa.u1 $0x1  }
0xb4: {  	p0 =	sne.s32 s2, $0x0;
	[sflag:s31] =	ssyncpa.u1 $0x1  }
0xb5: {  	s0 =	simm.s32 @p0 $0x1;
	_ =	sfence @p0  }
0xb6: {  	[sflag:s0] =	ssyncpa.u1 @p0 $0x1;
	s0 =	simm.s32 @p0 $0x2  }
0xb7: {  	[sflag:s0] =	ssyncpa.u1 @p0 $0x1  }
0xb8: {  	_ =	strace @p0 $0x90000047  }
0xb9: {  	[bflag:$0x2] =	sbarrier.arrive @p0 $0xFFFF  }
0xba: {  	_ =	shalt @p0  }
.LBB2_14:
0xbb: {  	_ =	sfence.stream.spmem;
	s0 =	simm.s32 $0x5  }
0xbc: {  	s2 =	simm.s32 $0x80;
	s3 =	simm.s32 $0xC0;
	[sflag:s0] =	ssyncpa.u1 $0x0  }
0xbd: {  	[tilespmem:s3], [sflag:$0x5] =	stream.linear.gather [spmem:s2], $0x20, $0x38;
	[tilespmem:$0xB520] =	vst v63  }
0xbe: {  	s2 =	simm.s32 $0x0;
	s3 =	simm.s32 $0xE0  }
0xbf: {  	[tilespmem:s3], [sflag:$0x5] =	stream.linear.gather [spmem:s2], $0x20, $0x38;
	[tilespmem:$0xB520] =	vst v63  }
.Ltmp9:
0xc0: {  	_ = 	snop;
	(pc) =	sbr.rel .LBB2_15-.Ltmp9, $4  }
0xc1: {  	_ =	swait.ge [sflag:s0], $0x40  }
0xc2: {  	[sflag:s0] =	ssyncset.done $0x0  }
0xc3: {  	s31 =	simm.s32 $0x6;
	[sflag:s0] =	ssyncadd.s32 $0xFFFFFFC0  }
0xc4: {  	s4 =	simm.s32 $0x0;
	[sflag:s31] =	ssyncpa.u1 $0x0  }
.LBB2_20:
0xc5: {  	p0 =	sgt.u32 s0, $0x3FFFFF  }
0xc6: {  	s5 =	sshrl.u32 @!p0 s0, $0x3  }
0xc7: {  	s0 =	sand.u32 @!p0 $0x7, s0;
	s6 =	simm.s32 @!p0 $0xB0;
	s5 =	sadd.s32 @!p0 s1, s5  }
0xc8: {  	[tilespmem:s6], [sflag:$0x6] =	stream.linear.gather @!p0 [hbm4b:s5+s0], $0x1, $0x38;
	[tilespmem:$0xB520] =	vst v63  }
0xc9: {  	s0 =	simm.s32 @!p0 $0x6  }
0xca: {  	_ =	swait.ge @!p0 [sflag:s0], $0x1  }
0xcb: {  	[sflag:s0] =	ssyncset.done @!p0 $0x0  }
0xcc: {  	[sflag:s0] =	ssyncadd.s32 @!p0 $0xFFFFFFFF  }
0xcd: {  	v2 =	vmov @!p0 s4;
	v1 =	vld.msk @!p0 [tilespmem:$0xB0], $0x1;
	_ =	sdelay $0x3  }
0xce: {  	s0 =	simm.s32 @!p0 $0xE0  }
0xcf: {  	[tilespmem:v2+s0+$0x0], v1 =	vst.idx.ret.add.f32.msk @!p0 $0x1, v1  }
0xd0: {  	[tilespmem:s2+$0xC0] =	vst.msk $0x1, v0  }
0xd1: {  	v0 =	vld.msk [tilespmem:s4+$0xE0], $0x1;
	_ =	sdelay $0x4  }
0xd2: {  	[tilespmem:s2+$0xE0] =	vst.msk $0x1, v0;
	s2 =	sadd.s32 $0x1, s2  }
.LBB2_22:
0xd3: {  	s4 =	sadd.s32 $0x1, s4  }
0xd4: {  	p0 =	sne.s32 s4, $0x20  }
.Ltmp10:
0xd5: {  	_ = 	snop;
	(pc) =	sbr.rel @!p0 .LBB2_23-.Ltmp10, $1  }
0xd6: {  	_ =	sdelay $0x3  }
.LBB2_15:
0xd7: {  	v0 =	vld.msk [tilespmem:s4+$0xC0], $0x1;
	_ =	sdelay $0x4  }
0xd8: {  	(v2sf) =	vpush v0, $0x0;
	_ =	sdelay $0xe  }
0xd9: {  	s0 =	spop (v2sf)  }
0xda: {  	p0 =	seq.s32 s0, $0xFFFFFFFF  }
.Ltmp11:
0xdb: {  	_ = 	snop;
	(pc) =	sbr.rel @p0 .LBB2_22-.Ltmp11, $1  }
0xdc: {  	_ =	sdelay $0x3  }
0xdd: {  	p0 =	slt.s32 s2, $0x1  }
.Ltmp12:
0xde: {  	_ = 	snop;
	(pc) =	sbr.rel @p0 .LBB2_20-.Ltmp12, $1  }
0xdf: {  	_ =	sdelay $0x3  }
0xe0: {  	s5 =	simm.s32 $0xC0;
	p0 =	por $0x0, $0x0  }
0xe1: {  	v1 =	vld.msk @!p0 [tilespmem:s5+$0x0], $0x1;
	_ =	sdelay $0x4  }
0xe2: {  	(v2sf) =	vpush @!p0 v1, $0x0;
	_ =	sdelay $0xd  }
0xe3: {  	p2 =	sne.s32 s2, $0x1  }
.Ltmp13:
0xe4: {  	s6 =	spop @!p0 (v2sf);
	(pc) =	sbr.rel @!p2 .LBB2_19-.Ltmp13, $4  }
0xe5: {  	p1 =	seq.s32 @!p0 s0, s6  }
0xe6: {  	s6 =	simm.s32 $0x0;
	p1 =	por !p1, p0  }
0xe7: {  	s8 =	simm.s32 $0xFFFFFFFF;
	s6 =	simm.s32 @p1 $0xFFFFFFFF  }
0xe8: {  	s7 =	simm.s32 $0x1;
	s6 =	smov.u32 @p0 s8  }
.LBB2_18:
0xe9: {  	s8 =	smov.u32 s6;
	p0 =	sne.s32 s6, $0xFFFFFFFF  }
0xea: {  	s5 =	sadd.s32 $0x1, s5;
	s6 =	smov.u32 s7;
	s7 =	sadd.s32 $0x1, s7  }
0xeb: {  	p1 =	sne.s32 s2, s7;
	v1 =	vld.msk @!p0 [tilespmem:s5+$0x0], $0x1;
	_ =	sdelay $0x4  }
0xec: {  	(v2sf) =	vpush @!p0 v1, $0x0;
	_ =	sdelay $0xe  }
.Ltmp14:
0xed: {  	s9 =	spop @!p0 (v2sf);
	(pc) =	sbr.rel @p1 .LBB2_18-.Ltmp14, $4  }
0xee: {  	p2 =	seq.s32 @!p0 s0, s9  }
0xef: {  	p2 =	por !p2, p0  }
0xf0: {  	s6 =	simm.s32 @p2 $0xFFFFFFFF  }
0xf1: {  	s6 =	smov.u32 @p0 s8  }
.LBB2_19:
0xf2: {  	p0 =	sne.s32 s6, $0xFFFFFFFF  }
.Ltmp15:
0xf3: {  	_ = 	snop;
	(pc) =	sbr.rel @!p0 .LBB2_20-.Ltmp15, $1  }
0xf4: {  	_ =	sdelay $0x3  }
0xf5: {  	v0 =	vld.msk [tilespmem:s4+$0xE0], $0x1;
	v1 =	vmov s6  }
.Ltmp16:
0xf6: {  	_ = 	snop;
	(pc) =	sbr.rel .LBB2_22-.Ltmp16, $2  }
0xf7: {  	_ =	sdelay $0x2  }
0xf8: {  	[tilespmem:v1+s3+$0x0], v0 =	vst.idx.ret.add.f32.msk $0x1, v0  }
.LBB2_23:
0xf9: {  	p0 =	slt.s32 s2, $0x1  }
.Ltmp17:
0xfa: {  	_ = 	snop;
	(pc) =	sbr.rel @p0 .LBB2_27-.Ltmp17, $3  }
0xfb: {  	_ =	sdelay $0x1  }
0xfc: {  	s0 =	simm.s32 $0x6  }
0xfd: {  	[sflag:s0] =	ssyncpa.u1 $0x1;
	s0 =	simm.s32 $0x0  }
0xfe: {  	s3 =	simm.s32 $0xC0  }
0xff: {  	v0 =	vld.msk [tilespmem:s3+$0x0], $0x1;
	_ =	sdelay $0x4  }
0x100: {  	(v2sf) =	vpush v0, $0x0;
	_ =	sdelay $0xe  }
0x101: {  	s2 =	sadd.s32 $0xFFFFFFFF, s2;
	s4 =	spop (v2sf)  }
0x102: {  	p1 =	sne.s32 s2, $0x0;
	p0 =	sgt.u32 s4, $0x3FFFFF  }
.Ltmp18:
0x103: {  	s5 =	sshrl.u32 @!p0 s4, $0x3;
	(pc) =	sbr.rel @!p1 .LBB2_26-.Ltmp18, $4  }
0x104: {  	s3 =	simm.s32 $0xE0;
	s4 =	sand.u32 @!p0 $0x7, s4;
	s5 =	sadd.s32 @!p0 s1, s5  }
0x105: {  	[hbm4b:s5+s4] =	stream.linear.scatter @!p0 [tilespmem:s3], [sflag:$0x5], $0x1, $0x38;
	[tilespmem:$0xB520] =	vst v63  }
0x106: {  	s5 =	simm.s32 $0x0  }
0x107: {  	s4 =	simm.s32 $0xC1;
	s5 =	simm.s32 @!p0 $0x4  }
.LBB2_25:
0x108: {  	v0 =	vld.msk [tilespmem:s4+$0x0], $0x1;
	s2 =	sadd.s32 $0xFFFFFFFF, s2;
	s0 =	sadd.s32 s0, s5  }
0x109: {  	p0 =	sne.s32 s2, $0x0;
	_ =	sdelay $0x3  }
0x10a: {  	(v2sf) =	vpush v0, $0x0;
	_ =	sdelay $0xe  }
.Ltmp19:
0x10b: {  	s6 =	spop (v2sf);
	(pc) =	sbr.rel @p0 .LBB2_25-.Ltmp19, $4  }
0x10c: {  	s5 =	simm.s32 $0x0;
	p1 =	sgt.u32 s6, $0x3FFFFF  }
0x10d: {  	s3 =	sadd.s32 $0x1, s3;
	s5 =	simm.s32 @!p1 $0x4;
	s7 =	sshrl.u32 @!p1 s6, $0x3  }
0x10e: {  	s4 =	sadd.s32 $0x1, s4;
	s6 =	sand.u32 @!p1 $0x7, s6;
	s7 =	sadd.s32 @!p1 s1, s7  }
0x10f: {  	[hbm4b:s7+s6] =	stream.linear.scatter @!p1 [tilespmem:s3], [sflag:$0x5], $0x1, $0x38;
	[tilespmem:$0xB520] =	vst v63  }
.LBB2_26:
0x110: {  	s0 =	sadd.s32 s0, s5  }
0x111: {  	s0 =	sshrl.u32 s0, $0x2  }
.LBB2_27:
0x112: {  	s1 =	simm.s32 $0x5  }
0x113: {  	_ =	swait.ge [sflag:s1], s0  }
0x114: {  	s28 =	ssub.s32 $0x0, s0;
	[sflag:s1] =	ssyncset.done $0x0  }
0x115: {  	[sflag:s1] =	ssyncadd.s32 s28  }
0x116: {  	[sflag:s1] =	ssyncpa.u1 $0x1  }
0x117: {  	s29 =	simm.s32 $0x1;
	_ =	sfence  }
0x118: {  	s30 =	simm.s32 $0x2;
	[sflag:s29] =	ssyncpa.u1 $0x1  }
0x119: {  	[sflag:s30] =	ssyncpa.u1 $0x1  }
0x11a: {  	_ =	strace $0x90000047  }
0x11b: {  	[bflag:$0x2] =	sbarrier.arrive $0xFFFF  }
0x11c: {  	s31 =	rddreg [dreg:$0x2]  }
0x11d: {  	s0 =	sadd.s32 $0x100000, s31  }
0x11e: {  	[sflag:s0] =	ssyncadd.tile.s32 $0x1;
	_ =	shalt  }
.Lfunc_end2:
_tile_overlayer_lowered:
.L_overlay_start_2:
0x11f: {  	(tag) =	ssettag $0x2  }
0x120: {  	s0 =	rddreg [dreg:$0x0];
	s2 =	stileid.u32  }
0x121: {  	s1 =	rddreg [dreg:$0x1];
	p0 =	sne.s32 s2, $0x0  }
0x122: {  	s3 =	rddreg [dreg:$0x2];
	[bflag:$0x3] =	sbarrier.arrive $0xFFFF;
	s2 =	simm.s32 @!p0 $0x1C01  }
0x123: {  	[timem:s3], [sflag:s2] =	dma.local @!p0 [hbm:s0], s1  }
0x124: {  	s0 =	simm.s32 @!p0 $0x1  }
0x125: {  	_ =	swait.ge @!p0 [sflag:s0], s1  }
0x126: {  	s1 =	ssub.s32 @!p0 $0x0, s1;
	[sflag:s0] =	ssyncset.done @!p0 $0x0  }
0x127: {  	[sflag:s0] =	ssyncadd.s32 @!p0 s1  }
0x128: {  	[bflag:$0x3] =	sbarrier.arrive $0xFFFF  }
0x129: {  	_ =	shalt  }

</sc_bundles>
